<compile_context>
chip_gen: v7x
topology: tpu7x:2x2x1
jax: 0.10.2.dev20260603
libtpu: 0.0.44.dev20260713+nightly
codegen_flags: <defaults>
</compile_context>

<pallas_src>
import jax
import jax.numpy as jnp
from jax import lax
from jax.experimental import pallas as pl
from jax.experimental.pallas import tpu as pltpu
from jax.experimental.pallas import tpu_sc as plsc

B, C, NUM, NCAT, V, D = 4096, 4, 13, 26, 100000, 32
NC, NS = 2, 16
NW = NC * NS
GU = 16


def _sc_gather_body(s_catT_hbm, tablesT_hbm, out_hbm, slice_v, idx0, idx1,
                    val0, val1, sem_s, sem_i, sem_o):
    cid = lax.axis_index("c")
    sid = lax.axis_index("s")
    wid = sid * NC + cid

    pltpu.async_copy(tablesT_hbm.at[0, wid], slice_v, sem_s)

    def per_field(f, _):
        pltpu.async_copy(s_catT_hbm.at[f, 0], idx0, sem_i)
        pltpu.make_async_copy(tablesT_hbm.at[f, wid], slice_v, sem_s).wait()
        for c in range(C):
            ib = idx0 if c % 2 == 0 else idx1
            nb = idx1 if c % 2 == 0 else idx0
            vb = val0 if c % 2 == 0 else val1
            pltpu.make_async_copy(s_catT_hbm.at[f, c], ib, sem_i).wait()
            if c + 1 < C:
                pltpu.async_copy(s_catT_hbm.at[f, c + 1], nb, sem_i)
            if c >= 2:
                pltpu.make_async_copy(vb, out_hbm.at[c - 2, f, wid],
                                      sem_o).wait()

            def per_group(g, __, ib=ib, vb=vb):
                for u in range(GU):
                    sl = pl.ds((g * GU + u) * 16, 16)
                    vb[sl] = plsc.load_gather(slice_v, [ib[sl]])
                return __

            lax.fori_loop(0, B // (16 * GU), per_group, None)
            pltpu.async_copy(vb, out_hbm.at[c, f, wid], sem_o)

        @pl.when(f + 1 < NCAT)
        def _next_slice():
            pltpu.async_copy(tablesT_hbm.at[f + 1, wid], slice_v, sem_s)

        pltpu.make_async_copy(val0, out_hbm.at[2, f, wid], sem_o).wait()
        pltpu.make_async_copy(val1, out_hbm.at[3, f, wid], sem_o).wait()
        return _

    lax.fori_loop(0, NCAT, per_field, None)


@jax.jit
def _sc_gather(s_catT, tablesT):
    mesh = plsc.VectorSubcoreMesh(core_axis_name="c", subcore_axis_name="s")
    return pl.kernel(
        _sc_gather_body,
        out_type=jax.ShapeDtypeStruct((C, NCAT, D, B), jnp.float32),
        mesh=mesh,
        scratch_types=[
            pltpu.VMEM((V,), jnp.float32),
            pltpu.VMEM((B,), jnp.int32),
            pltpu.VMEM((B,), jnp.int32),
            pltpu.VMEM((B,), jnp.float32),
            pltpu.VMEM((B,), jnp.float32),
            pltpu.SemaphoreType.DMA,
            pltpu.SemaphoreType.DMA,
            pltpu.SemaphoreType.DMA,
        ],
        compiler_params=pltpu.CompilerParams(needs_layout_passes=False),
    )(s_catT, tablesT)


BBLK = 512
KD = (NUM + NCAT) * D


def _assemble_body(s_contT_ref, w_ref, nan_ref, cat_ref, out_ref):
    w = w_ref[...]
    nan_e = nan_ref[...]
    for c in range(C):
        sc = s_contT_ref[:, c, :]
        ne = sc[:, None, :] * w[:, :, None]
        nan_mask = jnp.isnan(sc)[:, None, :]
        enc = jnp.where(nan_mask, nan_e[:, :, None], ne)
        out_ref[pl.ds(c * KD, NUM * D), :] = enc.reshape(NUM * D, BBLK)
        cat = cat_ref[c]
        out_ref[pl.ds(c * KD + NUM * D, NCAT * D), :] = cat.reshape(
            NCAT * D, BBLK)


@jax.jit
def _assemble(s_contT, num_W, nan_embs, m_cat):
    return pl.pallas_call(
        _assemble_body,
        grid=(B // BBLK,),
        in_specs=[
            pl.BlockSpec((NUM, C, BBLK), lambda i: (0, 0, i)),
            pl.BlockSpec((NUM, D), lambda i: (0, 0)),
            pl.BlockSpec((NUM, D), lambda i: (0, 0)),
            pl.BlockSpec((C, NCAT, D, BBLK), lambda i: (0, 0, 0, i)),
        ],
        out_specs=pl.BlockSpec((C * KD, BBLK), lambda i: (0, i)),
        out_shape=jax.ShapeDtypeStruct((C * KD, B), jnp.float32),
    )(s_contT, num_W, nan_embs, m_cat)


def kernel(s_cont, s_cat, cat_tables, num_W, nan_embs):
    tablesT = jnp.transpose(cat_tables, (0, 2, 1))
    s_catT = jnp.transpose(s_cat, (2, 1, 0))
    s_contT = jnp.transpose(s_cont, (2, 1, 0))
    m_cat = _sc_gather(s_catT, tablesT)
    m2 = _assemble(s_contT, num_W, nan_embs, m_cat)
    out = jnp.transpose(m2.reshape(C, NUM + NCAT, D, B), (3, 0, 1, 2))
    return out

# --- scband reference (transcript-rebuilt; emitter-appended) ---
"""Pipeline reference for scband-auxiliary-encoding-staitc-42545946034654 (READ-ONLY COPY).

The authoritative reference and input builder live on the scoring server;
editing this copy changes nothing except your own understanding.
"""

import jax, jax.numpy as jnp
import numpy as np

B, C = 4096, 4
NUM = 13
NCAT = 26
V = 100000
D = 32


def setup_inputs(seed: int = 0) -> dict:
    key = jax.random.key(seed)
    k1, k2, k3, k4, k5 = jax.random.split(key, 5)
    s_cont = jax.random.normal(k1, (B, C, NUM), dtype=jnp.float32)
    s_cat = jax.random.randint(k2, (B, C, NCAT), 0, V, dtype=jnp.int32)
    # stacked embedding tables for the 26 categorical fields; padding_idx=0 row zeroed
    cat_tables = jax.random.normal(k3, (NCAT, V, D), dtype=jnp.float32) * 0.01
    cat_tables = cat_tables.at[:, 0, :].set(0.0)
    # Linear(1, d_model, bias=False) weights for each of the 13 numerical variables (column vector -> [D])
    num_W = jax.random.normal(k4, (NUM, D), dtype=jnp.float32) * 0.1
    # nan embeddings (torch.rand init)
    nan_embs = jax.random.uniform(k5, (NUM, D), dtype=jnp.float32)
    return {"s_cont": s_cont, "s_cat": s_cat, "cat_tables": cat_tables, "num_W": num_W, "nan_embs": nan_embs}


def reference(s_cont, s_cat, cat_tables, num_W, nan_embs):
    # NumericalEmbedding: per-variable Linear(1, D) -> x_i * W_i, stacked along variable axis
    # ne[b,c,i,:] = s_cont[b,c,i] * num_W[i,:]
    ne = s_cont[..., :, None] * num_W[None, None, :, :]  # [B,C,NUM,D]
    # nan handling: if the embedded vector is all-nan (i.e. input was nan), replace with learned nan embedding
    nan_mask = jnp.isnan(ne).all(axis=-1)  # [B,C,NUM]
    enc_cont = jnp.where(nan_mask[..., None], nan_embs[None, None, :, :], ne)

    # CategoricalEmbedding: per-field embedding lookup with padding_idx=0
    field_idx = jnp.arange(NCAT)[None, None, :]  # [1,1,NCAT]
    ee = cat_tables[field_idx, s_cat]  # [B,C,NCAT,D] gather
    pad_mask = (s_cat != 0)[..., None].astype(ee.dtype)
    enc_cat = ee * pad_mask  # row 0 is zero; mask reproduces padding_idx semantics

    # concat along variable axis: [B, C, NUM+NCAT, D]
    encoding = jnp.concatenate([enc_cont, enc_cat], axis=-2)
    # squeeze_static=False -> return directly
    return encoding

if __name__ == "__main__":
    import jax
    _d = setup_inputs()
    print(jax.jit(kernel)(*tuple(_d.values())))

</pallas_src>

<mosaic_0001>
#map = affine_map<(d0, d1) -> (0, 0, 0)>
#map1 = affine_map<(d0, d1) -> (0, 0, 0, 0)>
module attributes {stable_mosaic.version = 14 : i64} {
  func.func @_sc_gather_body(%arg0: i32, %arg1: i32, %arg2: memref<26x4x4096xi32, #tpu.memory_space<hbm>>, %arg3: memref<26x32x100000xf32, #tpu.memory_space<hbm>>, %arg4: memref<4x26x32x4096xf32, #tpu.memory_space<hbm>>, %arg5: memref<100000xf32, #tpu.memory_space<vmem>>, %arg6: memref<4096xi32, #tpu.memory_space<vmem>>, %arg7: memref<4096xi32, #tpu.memory_space<vmem>>, %arg8: memref<4096xf32, #tpu.memory_space<vmem>>, %arg9: memref<4096xf32, #tpu.memory_space<vmem>>, %arg10: memref<!tpu.dma_semaphore, #tpu.memory_space<semaphore_mem>>, %arg11: memref<!tpu.dma_semaphore, #tpu.memory_space<semaphore_mem>>, %arg12: memref<!tpu.dma_semaphore, #tpu.memory_space<semaphore_mem>>) attributes {dimension_semantics = [#tpu.dimension_semantics<core_parallel>, #tpu.dimension_semantics<subcore_parallel>], iteration_bounds = array<i64: 2, 16>, scalar_prefetch = 0 : i64, scratch_operands = 8 : i64, tpu.core_type = #tpu.core_type<sc_vector_subcore>, window_params = [{transform_indices = #map}, {transform_indices = #map}, {transform_indices = #map1}]} {
    %mul3A = arith.constant 2 : i32
    %mul3A_0 = arith.muli %arg1, %mul3A : i32
    %add3A = arith.addi %mul3A_0, %arg0 : i32
    %dma_start3A = arith.constant 0 : i32
    %dma_start3A_1 = arith.constant 0 : i32
    %dma_start3A_2 = tpu.memref_slice %arg3[%dma_start3A, %add3A, %dma_start3A_1] : memref<26x32x100000xf32, #tpu.memory_space<hbm>> -> memref<1x1x100000xf32, #tpu.memory_space<hbm>>
    %dma_start3A_3 = tpu.memref_squeeze %dma_start3A_2 : memref<1x1x100000xf32, #tpu.memory_space<hbm>> -> memref<100000xf32, #tpu.memory_space<hbm>>
    %dma_start3A_4 = arith.constant 0 : i32
    %dma_start3A_5 = tpu.memref_slice %arg3[%dma_start3A, %add3A, %dma_start3A_4] : memref<26x32x100000xf32, #tpu.memory_space<hbm>> -> memref<1x1x100000xf32, #tpu.memory_space<hbm>>
    %dma_start3A_6 = tpu.memref_squeeze %dma_start3A_5 : memref<1x1x100000xf32, #tpu.memory_space<hbm>> -> memref<100000xf32, #tpu.memory_space<hbm>>
    tpu.enqueue_dma source(%dma_start3A_6 : memref<100000xf32, #tpu.memory_space<hbm>>) target(%arg5 : memref<100000xf32, #tpu.memory_space<vmem>>) target_semaphore(%arg10 : memref<!tpu.dma_semaphore, #tpu.memory_space<semaphore_mem>>)
    %scan3A = arith.constant 0 : i32
    %scan3A_7 = arith.constant 26 : i32
    %scan3A_8 = arith.addi %scan3A, %scan3A_7 : i32
    %scan3A_9 = arith.constant 1 : i32
    scf.for %scan3A_11 = %scan3A to %scan3A_8 step %scan3A_9  : i32 {
      %dma_start3A_12 = arith.constant 0 : i32
      %dma_start3A_13 = arith.constant 0 : i32
      %dma_start3A_14 = tpu.memref_slice %arg2[%scan3A_11, %dma_start3A_12, %dma_start3A_13] : memref<26x4x4096xi32, #tpu.memory_space<hbm>> -> memref<1x1x4096xi32, #tpu.memory_space<hbm>>
      %dma_start3A_15 = tpu.memref_squeeze %dma_start3A_14 : memref<1x1x4096xi32, #tpu.memory_space<hbm>> -> memref<4096xi32, #tpu.memory_space<hbm>>
      %dma_start3A_16 = arith.constant 0 : i32
      %dma_start3A_17 = tpu.memref_slice %arg2[%scan3A_11, %dma_start3A_12, %dma_start3A_16] : memref<26x4x4096xi32, #tpu.memory_space<hbm>> -> memref<1x1x4096xi32, #tpu.memory_space<hbm>>
      %dma_start3A_18 = tpu.memref_squeeze %dma_start3A_17 : memref<1x1x4096xi32, #tpu.memory_space<hbm>> -> memref<4096xi32, #tpu.memory_space<hbm>>
      tpu.enqueue_dma source(%dma_start3A_18 : memref<4096xi32, #tpu.memory_space<hbm>>) target(%arg6 : memref<4096xi32, #tpu.memory_space<vmem>>) target_semaphore(%arg11 : memref<!tpu.dma_semaphore, #tpu.memory_space<semaphore_mem>>)
      %dma_wait3A = arith.constant 0 : i32
      %dma_wait3A_19 = tpu.memref_slice %arg3[%scan3A_11, %add3A, %dma_wait3A] : memref<26x32x100000xf32, #tpu.memory_space<hbm>> -> memref<1x1x100000xf32, #tpu.memory_space<hbm>>
      %dma_wait3A_20 = tpu.memref_squeeze %dma_wait3A_19 : memref<1x1x100000xf32, #tpu.memory_space<hbm>> -> memref<100000xf32, #tpu.memory_space<hbm>>
      %dma_wait3A_21 = arith.constant 0 : i32
      %dma_wait3A_22 = tpu.memref_slice %arg3[%scan3A_11, %add3A, %dma_wait3A_21] : memref<26x32x100000xf32, #tpu.memory_space<hbm>> -> memref<1x1x100000xf32, #tpu.memory_space<hbm>>
      %dma_wait3A_23 = tpu.memref_squeeze %dma_wait3A_22 : memref<1x1x100000xf32, #tpu.memory_space<hbm>> -> memref<100000xf32, #tpu.memory_space<hbm>>
      tpu.wait_dma2 semaphore(%arg10 : memref<!tpu.dma_semaphore, #tpu.memory_space<semaphore_mem>>) src(%dma_wait3A_23 : memref<100000xf32, #tpu.memory_space<hbm>>) dst(%arg5 : memref<100000xf32, #tpu.memory_space<vmem>>)
      %dma_wait3A_24 = arith.constant 0 : i32
      %dma_wait3A_25 = arith.constant 0 : i32
      %dma_wait3A_26 = tpu.memref_slice %arg2[%scan3A_11, %dma_wait3A_24, %dma_wait3A_25] : memref<26x4x4096xi32, #tpu.memory_space<hbm>> -> memref<1x1x4096xi32, #tpu.memory_space<hbm>>
      %dma_wait3A_27 = tpu.memref_squeeze %dma_wait3A_26 : memref<1x1x4096xi32, #tpu.memory_space<hbm>> -> memref<4096xi32, #tpu.memory_space<hbm>>
      %dma_wait3A_28 = arith.constant 0 : i32
      %dma_wait3A_29 = tpu.memref_slice %arg2[%scan3A_11, %dma_wait3A_24, %dma_wait3A_28] : memref<26x4x4096xi32, #tpu.memory_space<hbm>> -> memref<1x1x4096xi32, #tpu.memory_space<hbm>>
      %dma_wait3A_30 = tpu.memref_squeeze %dma_wait3A_29 : memref<1x1x4096xi32, #tpu.memory_space<hbm>> -> memref<4096xi32, #tpu.memory_space<hbm>>
      tpu.wait_dma2 semaphore(%arg11 : memref<!tpu.dma_semaphore, #tpu.memory_space<semaphore_mem>>) src(%dma_wait3A_30 : memref<4096xi32, #tpu.memory_space<hbm>>) dst(%arg6 : memref<4096xi32, #tpu.memory_space<vmem>>)
      %dma_start3A_31 = arith.constant 1 : i32
      %dma_start3A_32 = arith.constant 0 : i32
      %dma_start3A_33 = tpu.memref_slice %arg2[%scan3A_11, %dma_start3A_31, %dma_start3A_32] : memref<26x4x4096xi32, #tpu.memory_space<hbm>> -> memref<1x1x4096xi32, #tpu.memory_space<hbm>>
      %dma_start3A_34 = tpu.memref_squeeze %dma_start3A_33 : memref<1x1x4096xi32, #tpu.memory_space<hbm>> -> memref<4096xi32, #tpu.memory_space<hbm>>
      %dma_start3A_35 = arith.constant 0 : i32
      %dma_start3A_36 = tpu.memref_slice %arg2[%scan3A_11, %dma_start3A_31, %dma_start3A_35] : memref<26x4x4096xi32, #tpu.memory_space<hbm>> -> memref<1x1x4096xi32, #tpu.memory_space<hbm>>
      %dma_start3A_37 = tpu.memref_squeeze %dma_start3A_36 : memref<1x1x4096xi32, #tpu.memory_space<hbm>> -> memref<4096xi32, #tpu.memory_space<hbm>>
      tpu.enqueue_dma source(%dma_start3A_37 : memref<4096xi32, #tpu.memory_space<hbm>>) target(%arg7 : memref<4096xi32, #tpu.memory_space<vmem>>) target_semaphore(%arg11 : memref<!tpu.dma_semaphore, #tpu.memory_space<semaphore_mem>>)
      %scan3A_38 = arith.constant 0 : i32
      %scan3A_39 = arith.constant 16 : i32
      %scan3A_40 = arith.addi %scan3A_38, %scan3A_39 : i32
      %scan3A_41 = arith.constant 1 : i32
      scf.for %scan3A_153 = %scan3A_38 to %scan3A_40 step %scan3A_41  : i32 {
        %mul3A_154 = arith.constant 16 : i32
        %mul3A_155 = arith.muli %scan3A_153, %mul3A_154 : i32
        %add3A_156 = arith.constant 0 : i32
        %add3A_157 = arith.addi %mul3A_155, %add3A_156 : i32
        %mul3A_158 = arith.constant 16 : i32
        %mul3A_159 = arith.muli %add3A_157, %mul3A_158 : i32
        %get3A = arith.index_cast %mul3A_159 : i32 to index
        %get3A_160 = tpu.vector_load %arg6[%get3A] {strides = array<i32>} : memref<4096xi32, #tpu.memory_space<vmem>>, vector<16xi32>,
        %gather3A = tpu.vector_load_idx %arg5[%get3A_160] : memref<100000xf32, #tpu.memory_space<vmem>>[vector<16xi32>], vector<16xf32>,
        %swap3A = arith.index_cast %mul3A_159 : i32 to index
        %swap3A_161 = tpu.vector_load %arg8[%swap3A] {strides = array<i32>} : memref<4096xf32, #tpu.memory_space<vmem>>, vector<16xf32>,
        tpu.vector_store %arg8[%swap3A], %gather3A {strides = array<i32>} : memref<4096xf32, #tpu.memory_space<vmem>>, vector<16xf32>,
        %mul3A_162 = arith.constant 16 : i32
        %mul3A_163 = arith.muli %scan3A_153, %mul3A_162 : i32
        %add3A_164 = arith.constant 1 : i32
        %add3A_165 = arith.addi %mul3A_163, %add3A_164 : i32
        %mul3A_166 = arith.constant 16 : i32
        %mul3A_167 = arith.muli %add3A_165, %mul3A_166 : i32
        %get3A_168 = arith.index_cast %mul3A_167 : i32 to index
        %get3A_169 = tpu.vector_load %arg6[%get3A_168] {strides = array<i32>} : memref<4096xi32, #tpu.memory_space<vmem>>, vector<16xi32>,
        %gather3A_170 = tpu.vector_load_idx %arg5[%get3A_169] : memref<100000xf32, #tpu.memory_space<vmem>>[vector<16xi32>], vector<16xf32>,
        %swap3A_171 = arith.index_cast %mul3A_167 : i32 to index
        %swap3A_172 = tpu.vector_load %arg8[%swap3A_171] {strides = array<i32>} : memref<4096xf32, #tpu.memory_space<vmem>>, vector<16xf32>,
        tpu.vector_store %arg8[%swap3A_171], %gather3A_170 {strides = array<i32>} : memref<4096xf32, #tpu.memory_space<vmem>>, vector<16xf32>,
        %mul3A_173 = arith.constant 16 : i32
        %mul3A_174 = arith.muli %scan3A_153, %mul3A_173 : i32
        %add3A_175 = arith.constant 2 : i32
        %add3A_176 = arith.addi %mul3A_174, %add3A_175 : i32
        %mul3A_177 = arith.constant 16 : i32
        %mul3A_178 = arith.muli %add3A_176, %mul3A_177 : i32
        %get3A_179 = arith.index_cast %mul3A_178 : i32 to index
        %get3A_180 = tpu.vector_load %arg6[%get3A_179] {strides = array<i32>} : memref<4096xi32, #tpu.memory_space<vmem>>, vector<16xi32>,
        %gather3A_181 = tpu.vector_load_idx %arg5[%get3A_180] : memref<100000xf32, #tpu.memory_space<vmem>>[vector<16xi32>], vector<16xf32>,
        %swap3A_182 = arith.index_cast %mul3A_178 : i32 to index
        %swap3A_183 = tpu.vector_load %arg8[%swap3A_182] {strides = array<i32>} : memref<4096xf32, #tpu.memory_space<vmem>>, vector<16xf32>,
        tpu.vector_store %arg8[%swap3A_182], %gather3A_181 {strides = array<i32>} : memref<4096xf32, #tpu.memory_space<vmem>>, vector<16xf32>,
        %mul3A_184 = arith.constant 16 : i32
        %mul3A_185 = arith.muli %scan3A_153, %mul3A_184 : i32
        %add3A_186 = arith.constant 3 : i32
        %add3A_187 = arith.addi %mul3A_185, %add3A_186 : i32
        %mul3A_188 = arith.constant 16 : i32
        %mul3A_189 = arith.muli %add3A_187, %mul3A_188 : i32
        %get3A_190 = arith.index_cast %mul3A_189 : i32 to index
        %get3A_191 = tpu.vector_load %arg6[%get3A_190] {strides = array<i32>} : memref<4096xi32, #tpu.memory_space<vmem>>, vector<16xi32>,
        %gather3A_192 = tpu.vector_load_idx %arg5[%get3A_191] : memref<100000xf32, #tpu.memory_space<vmem>>[vector<16xi32>], vector<16xf32>,
        %swap3A_193 = arith.index_cast %mul3A_189 : i32 to index
        %swap3A_194 = tpu.vector_load %arg8[%swap3A_193] {strides = array<i32>} : memref<4096xf32, #tpu.memory_space<vmem>>, vector<16xf32>,
        tpu.vector_store %arg8[%swap3A_193], %gather3A_192 {strides = array<i32>} : memref<4096xf32, #tpu.memory_space<vmem>>, vector<16xf32>,
        %mul3A_195 = arith.constant 16 : i32
        %mul3A_196 = arith.muli %scan3A_153, %mul3A_195 : i32
        %add3A_197 = arith.constant 4 : i32
        %add3A_198 = arith.addi %mul3A_196, %add3A_197 : i32
        %mul3A_199 = arith.constant 16 : i32
        %mul3A_200 = arith.muli %add3A_198, %mul3A_199 : i32
        %get3A_201 = arith.index_cast %mul3A_200 : i32 to index
        %get3A_202 = tpu.vector_load %arg6[%get3A_201] {strides = array<i32>} : memref<4096xi32, #tpu.memory_space<vmem>>, vector<16xi32>,
        %gather3A_203 = tpu.vector_load_idx %arg5[%get3A_202] : memref<100000xf32, #tpu.memory_space<vmem>>[vector<16xi32>], vector<16xf32>,
        %swap3A_204 = arith.index_cast %mul3A_200 : i32 to index
        %swap3A_205 = tpu.vector_load %arg8[%swap3A_204] {strides = array<i32>} : memref<4096xf32, #tpu.memory_space<vmem>>, vector<16xf32>,
        tpu.vector_store %arg8[%swap3A_204], %gather3A_203 {strides = array<i32>} : memref<4096xf32, #tpu.memory_space<vmem>>, vector<16xf32>,
        %mul3A_206 = arith.constant 16 : i32
        %mul3A_207 = arith.muli %scan3A_153, %mul3A_206 : i32
        %add3A_208 = arith.constant 5 : i32
        %add3A_209 = arith.addi %mul3A_207, %add3A_208 : i32
        %mul3A_210 = arith.constant 16 : i32
        %mul3A_211 = arith.muli %add3A_209, %mul3A_210 : i32
        %get3A_212 = arith.index_cast %mul3A_211 : i32 to index
        %get3A_213 = tpu.vector_load %arg6[%get3A_212] {strides = array<i32>} : memref<4096xi32, #tpu.memory_space<vmem>>, vector<16xi32>,
        %gather3A_214 = tpu.vector_load_idx %arg5[%get3A_213] : memref<100000xf32, #tpu.memory_space<vmem>>[vector<16xi32>], vector<16xf32>,
        %swap3A_215 = arith.index_cast %mul3A_211 : i32 to index
        %swap3A_216 = tpu.vector_load %arg8[%swap3A_215] {strides = array<i32>} : memref<4096xf32, #tpu.memory_space<vmem>>, vector<16xf32>,
        tpu.vector_store %arg8[%swap3A_215], %gather3A_214 {strides = array<i32>} : memref<4096xf32, #tpu.memory_space<vmem>>, vector<16xf32>,
        %mul3A_217 = arith.constant 16 : i32
        %mul3A_218 = arith.muli %scan3A_153, %mul3A_217 : i32
        %add3A_219 = arith.constant 6 : i32
        %add3A_220 = arith.addi %mul3A_218, %add3A_219 : i32
        %mul3A_221 = arith.constant 16 : i32
        %mul3A_222 = arith.muli %add3A_220, %mul3A_221 : i32
        %get3A_223 = arith.index_cast %mul3A_222 : i32 to index
        %get3A_224 = tpu.vector_load %arg6[%get3A_223] {strides = array<i32>} : memref<4096xi32, #tpu.memory_space<vmem>>, vector<16xi32>,
        %gather3A_225 = tpu.vector_load_idx %arg5[%get3A_224] : memref<100000xf32, #tpu.memory_space<vmem>>[vector<16xi32>], vector<16xf32>,
        %swap3A_226 = arith.index_cast %mul3A_222 : i32 to index
        %swap3A_227 = tpu.vector_load %arg8[%swap3A_226] {strides = array<i32>} : memref<4096xf32, #tpu.memory_space<vmem>>, vector<16xf32>,
        tpu.vector_store %arg8[%swap3A_226], %gather3A_225 {strides = array<i32>} : memref<4096xf32, #tpu.memory_space<vmem>>, vector<16xf32>,
        %mul3A_228 = arith.constant 16 : i32
        %mul3A_229 = arith.muli %scan3A_153, %mul3A_228 : i32
        %add3A_230 = arith.constant 7 : i32
        %add3A_231 = arith.addi %mul3A_229, %add3A_230 : i32
        %mul3A_232 = arith.constant 16 : i32
        %mul3A_233 = arith.muli %add3A_231, %mul3A_232 : i32
        %get3A_234 = arith.index_cast %mul3A_233 : i32 to index
        %get3A_235 = tpu.vector_load %arg6[%get3A_234] {strides = array<i32>} : memref<4096xi32, #tpu.memory_space<vmem>>, vector<16xi32>,
        %gather3A_236 = tpu.vector_load_idx %arg5[%get3A_235] : memref<100000xf32, #tpu.memory_space<vmem>>[vector<16xi32>], vector<16xf32>,
        %swap3A_237 = arith.index_cast %mul3A_233 : i32 to index
        %swap3A_238 = tpu.vector_load %arg8[%swap3A_237] {strides = array<i32>} : memref<4096xf32, #tpu.memory_space<vmem>>, vector<16xf32>,
        tpu.vector_store %arg8[%swap3A_237], %gather3A_236 {strides = array<i32>} : memref<4096xf32, #tpu.memory_space<vmem>>, vector<16xf32>,
        %mul3A_239 = arith.constant 16 : i32
        %mul3A_240 = arith.muli %scan3A_153, %mul3A_239 : i32
        %add3A_241 = arith.constant 8 : i32
        %add3A_242 = arith.addi %mul3A_240, %add3A_241 : i32
        %mul3A_243 = arith.constant 16 : i32
        %mul3A_244 = arith.muli %add3A_242, %mul3A_243 : i32
        %get3A_245 = arith.index_cast %mul3A_244 : i32 to index
        %get3A_246 = tpu.vector_load %arg6[%get3A_245] {strides = array<i32>} : memref<4096xi32, #tpu.memory_space<vmem>>, vector<16xi32>,
        %gather3A_247 = tpu.vector_load_idx %arg5[%get3A_246] : memref<100000xf32, #tpu.memory_space<vmem>>[vector<16xi32>], vector<16xf32>,
        %swap3A_248 = arith.index_cast %mul3A_244 : i32 to index
        %swap3A_249 = tpu.vector_load %arg8[%swap3A_248] {strides = array<i32>} : memref<4096xf32, #tpu.memory_space<vmem>>, vector<16xf32>,
        tpu.vector_store %arg8[%swap3A_248], %gather3A_247 {strides = array<i32>} : memref<4096xf32, #tpu.memory_space<vmem>>, vector<16xf32>,
        %mul3A_250 = arith.constant 16 : i32
        %mul3A_251 = arith.muli %scan3A_153, %mul3A_250 : i32
        %add3A_252 = arith.constant 9 : i32
        %add3A_253 = arith.addi %mul3A_251, %add3A_252 : i32
        %mul3A_254 = arith.constant 16 : i32
        %mul3A_255 = arith.muli %add3A_253, %mul3A_254 : i32
        %get3A_256 = arith.index_cast %mul3A_255 : i32 to index
        %get3A_257 = tpu.vector_load %arg6[%get3A_256] {strides = array<i32>} : memref<4096xi32, #tpu.memory_space<vmem>>, vector<16xi32>,
        %gather3A_258 = tpu.vector_load_idx %arg5[%get3A_257] : memref<100000xf32, #tpu.memory_space<vmem>>[vector<16xi32>], vector<16xf32>,
        %swap3A_259 = arith.index_cast %mul3A_255 : i32 to index
        %swap3A_260 = tpu.vector_load %arg8[%swap3A_259] {strides = array<i32>} : memref<4096xf32, #tpu.memory_space<vmem>>, vector<16xf32>,
        tpu.vector_store %arg8[%swap3A_259], %gather3A_258 {strides = array<i32>} : memref<4096xf32, #tpu.memory_space<vmem>>, vector<16xf32>,
        %mul3A_261 = arith.constant 16 : i32
        %mul3A_262 = arith.muli %scan3A_153, %mul3A_261 : i32
        %add3A_263 = arith.constant 10 : i32
        %add3A_264 = arith.addi %mul3A_262, %add3A_263 : i32
        %mul3A_265 = arith.constant 16 : i32
        %mul3A_266 = arith.muli %add3A_264, %mul3A_265 : i32
        %get3A_267 = arith.index_cast %mul3A_266 : i32 to index
        %get3A_268 = tpu.vector_load %arg6[%get3A_267] {strides = array<i32>} : memref<4096xi32, #tpu.memory_space<vmem>>, vector<16xi32>,
        %gather3A_269 = tpu.vector_load_idx %arg5[%get3A_268] : memref<100000xf32, #tpu.memory_space<vmem>>[vector<16xi32>], vector<16xf32>,
        %swap3A_270 = arith.index_cast %mul3A_266 : i32 to index
        %swap3A_271 = tpu.vector_load %arg8[%swap3A_270] {strides = array<i32>} : memref<4096xf32, #tpu.memory_space<vmem>>, vector<16xf32>,
        tpu.vector_store %arg8[%swap3A_270], %gather3A_269 {strides = array<i32>} : memref<4096xf32, #tpu.memory_space<vmem>>, vector<16xf32>,
        %mul3A_272 = arith.constant 16 : i32
        %mul3A_273 = arith.muli %scan3A_153, %mul3A_272 : i32
        %add3A_274 = arith.constant 11 : i32
        %add3A_275 = arith.addi %mul3A_273, %add3A_274 : i32
        %mul3A_276 = arith.constant 16 : i32
        %mul3A_277 = arith.muli %add3A_275, %mul3A_276 : i32
        %get3A_278 = arith.index_cast %mul3A_277 : i32 to index
        %get3A_279 = tpu.vector_load %arg6[%get3A_278] {strides = array<i32>} : memref<4096xi32, #tpu.memory_space<vmem>>, vector<16xi32>,
        %gather3A_280 = tpu.vector_load_idx %arg5[%get3A_279] : memref<100000xf32, #tpu.memory_space<vmem>>[vector<16xi32>], vector<16xf32>,
        %swap3A_281 = arith.index_cast %mul3A_277 : i32 to index
        %swap3A_282 = tpu.vector_load %arg8[%swap3A_281] {strides = array<i32>} : memref<4096xf32, #tpu.memory_space<vmem>>, vector<16xf32>,
        tpu.vector_store %arg8[%swap3A_281], %gather3A_280 {strides = array<i32>} : memref<4096xf32, #tpu.memory_space<vmem>>, vector<16xf32>,
        %mul3A_283 = arith.constant 16 : i32
        %mul3A_284 = arith.muli %scan3A_153, %mul3A_283 : i32
        %add3A_285 = arith.constant 12 : i32
        %add3A_286 = arith.addi %mul3A_284, %add3A_285 : i32
        %mul3A_287 = arith.constant 16 : i32
        %mul3A_288 = arith.muli %add3A_286, %mul3A_287 : i32
        %get3A_289 = arith.index_cast %mul3A_288 : i32 to index
        %get3A_290 = tpu.vector_load %arg6[%get3A_289] {strides = array<i32>} : memref<4096xi32, #tpu.memory_space<vmem>>, vector<16xi32>,
        %gather3A_291 = tpu.vector_load_idx %arg5[%get3A_290] : memref<100000xf32, #tpu.memory_space<vmem>>[vector<16xi32>], vector<16xf32>,
        %swap3A_292 = arith.index_cast %mul3A_288 : i32 to index
        %swap3A_293 = tpu.vector_load %arg8[%swap3A_292] {strides = array<i32>} : memref<4096xf32, #tpu.memory_space<vmem>>, vector<16xf32>,
        tpu.vector_store %arg8[%swap3A_292], %gather3A_291 {strides = array<i32>} : memref<4096xf32, #tpu.memory_space<vmem>>, vector<16xf32>,
        %mul3A_294 = arith.constant 16 : i32
        %mul3A_295 = arith.muli %scan3A_153, %mul3A_294 : i32
        %add3A_296 = arith.constant 13 : i32
        %add3A_297 = arith.addi %mul3A_295, %add3A_296 : i32
        %mul3A_298 = arith.constant 16 : i32
        %mul3A_299 = arith.muli %add3A_297, %mul3A_298 : i32
        %get3A_300 = arith.index_cast %mul3A_299 : i32 to index
        %get3A_301 = tpu.vector_load %arg6[%get3A_300] {strides = array<i32>} : memref<4096xi32, #tpu.memory_space<vmem>>, vector<16xi32>,
        %gather3A_302 = tpu.vector_load_idx %arg5[%get3A_301] : memref<100000xf32, #tpu.memory_space<vmem>>[vector<16xi32>], vector<16xf32>,
        %swap3A_303 = arith.index_cast %mul3A_299 : i32 to index
        %swap3A_304 = tpu.vector_load %arg8[%swap3A_303] {strides = array<i32>} : memref<4096xf32, #tpu.memory_space<vmem>>, vector<16xf32>,
        tpu.vector_store %arg8[%swap3A_303], %gather3A_302 {strides = array<i32>} : memref<4096xf32, #tpu.memory_space<vmem>>, vector<16xf32>,
        %mul3A_305 = arith.constant 16 : i32
        %mul3A_306 = arith.muli %scan3A_153, %mul3A_305 : i32
        %add3A_307 = arith.constant 14 : i32
        %add3A_308 = arith.addi %mul3A_306, %add3A_307 : i32
        %mul3A_309 = arith.constant 16 : i32
        %mul3A_310 = arith.muli %add3A_308, %mul3A_309 : i32
        %get3A_311 = arith.index_cast %mul3A_310 : i32 to index
        %get3A_312 = tpu.vector_load %arg6[%get3A_311] {strides = array<i32>} : memref<4096xi32, #tpu.memory_space<vmem>>, vector<16xi32>,
        %gather3A_313 = tpu.vector_load_idx %arg5[%get3A_312] : memref<100000xf32, #tpu.memory_space<vmem>>[vector<16xi32>], vector<16xf32>,
        %swap3A_314 = arith.index_cast %mul3A_310 : i32 to index
        %swap3A_315 = tpu.vector_load %arg8[%swap3A_314] {strides = array<i32>} : memref<4096xf32, #tpu.memory_space<vmem>>, vector<16xf32>,
        tpu.vector_store %arg8[%swap3A_314], %gather3A_313 {strides = array<i32>} : memref<4096xf32, #tpu.memory_space<vmem>>, vector<16xf32>,
        %mul3A_316 = arith.constant 16 : i32
        %mul3A_317 = arith.muli %scan3A_153, %mul3A_316 : i32
        %add3A_318 = arith.constant 15 : i32
        %add3A_319 = arith.addi %mul3A_317, %add3A_318 : i32
        %mul3A_320 = arith.constant 16 : i32
        %mul3A_321 = arith.muli %add3A_319, %mul3A_320 : i32
        %get3A_322 = arith.index_cast %mul3A_321 : i32 to index
        %get3A_323 = tpu.vector_load %arg6[%get3A_322] {strides = array<i32>} : memref<4096xi32, #tpu.memory_space<vmem>>, vector<16xi32>,
        %gather3A_324 = tpu.vector_load_idx %arg5[%get3A_323] : memref<100000xf32, #tpu.memory_space<vmem>>[vector<16xi32>], vector<16xf32>,
        %swap3A_325 = arith.index_cast %mul3A_321 : i32 to index
        %swap3A_326 = tpu.vector_load %arg8[%swap3A_325] {strides = array<i32>} : memref<4096xf32, #tpu.memory_space<vmem>>, vector<16xf32>,
        tpu.vector_store %arg8[%swap3A_325], %gather3A_324 {strides = array<i32>} : memref<4096xf32, #tpu.memory_space<vmem>>, vector<16xf32>,
      }
      %scan3A_42 = arith.constant 16 : i32
      %dma_start3A_43 = arith.constant 0 : i32
      %dma_start3A_44 = arith.constant 0 : i32
      %dma_start3A_45 = tpu.memref_slice %arg4[%dma_start3A_43, %scan3A_11, %add3A, %dma_start3A_44] : memref<4x26x32x4096xf32, #tpu.memory_space<hbm>> -> memref<1x1x1x4096xf32, #tpu.memory_space<hbm>>
      %dma_start3A_46 = tpu.memref_squeeze %dma_start3A_45 : memref<1x1x1x4096xf32, #tpu.memory_space<hbm>> -> memref<4096xf32, #tpu.memory_space<hbm>>
      %dma_start3A_47 = arith.constant 0 : i32
      %dma_start3A_48 = tpu.memref_slice %arg4[%dma_start3A_43, %scan3A_11, %add3A, %dma_start3A_47] : memref<4x26x32x4096xf32, #tpu.memory_space<hbm>> -> memref<1x1x1x4096xf32, #tpu.memory_space<hbm>>
      %dma_start3A_49 = tpu.memref_squeeze %dma_start3A_48 : memref<1x1x1x4096xf32, #tpu.memory_space<hbm>> -> memref<4096xf32, #tpu.memory_space<hbm>>
      tpu.enqueue_dma source(%arg8 : memref<4096xf32, #tpu.memory_space<vmem>>) target(%dma_start3A_49 : memref<4096xf32, #tpu.memory_space<hbm>>) target_semaphore(%arg12 : memref<!tpu.dma_semaphore, #tpu.memory_space<semaphore_mem>>)
      %dma_wait3A_50 = arith.constant 1 : i32
      %dma_wait3A_51 = arith.constant 0 : i32
      %dma_wait3A_52 = tpu.memref_slice %arg2[%scan3A_11, %dma_wait3A_50, %dma_wait3A_51] : memref<26x4x4096xi32, #tpu.memory_space<hbm>> -> memref<1x1x4096xi32, #tpu.memory_space<hbm>>
      %dma_wait3A_53 = tpu.memref_squeeze %dma_wait3A_52 : memref<1x1x4096xi32, #tpu.memory_space<hbm>> -> memref<4096xi32, #tpu.memory_space<hbm>>
      %dma_wait3A_54 = arith.constant 0 : i32
      %dma_wait3A_55 = tpu.memref_slice %arg2[%scan3A_11, %dma_wait3A_50, %dma_wait3A_54] : memref<26x4x4096xi32, #tpu.memory_space<hbm>> -> memref<1x1x4096xi32, #tpu.memory_space<hbm>>
      %dma_wait3A_56 = tpu.memref_squeeze %dma_wait3A_55 : memref<1x1x4096xi32, #tpu.memory_space<hbm>> -> memref<4096xi32, #tpu.memory_space<hbm>>
      tpu.wait_dma2 semaphore(%arg11 : memref<!tpu.dma_semaphore, #tpu.memory_space<semaphore_mem>>) src(%dma_wait3A_56 : memref<4096xi32, #tpu.memory_space<hbm>>) dst(%arg7 : memref<4096xi32, #tpu.memory_space<vmem>>)
      %dma_start3A_57 = arith.constant 2 : i32
      %dma_start3A_58 = arith.constant 0 : i32
      %dma_start3A_59 = tpu.memref_slice %arg2[%scan3A_11, %dma_start3A_57, %dma_start3A_58] : memref<26x4x4096xi32, #tpu.memory_space<hbm>> -> memref<1x1x4096xi32, #tpu.memory_space<hbm>>
      %dma_start3A_60 = tpu.memref_squeeze %dma_start3A_59 : memref<1x1x4096xi32, #tpu.memory_space<hbm>> -> memref<4096xi32, #tpu.memory_space<hbm>>
      %dma_start3A_61 = arith.constant 0 : i32
      %dma_start3A_62 = tpu.memref_slice %arg2[%scan3A_11, %dma_start3A_57, %dma_start3A_61] : memref<26x4x4096xi32, #tpu.memory_space<hbm>> -> memref<1x1x4096xi32, #tpu.memory_space<hbm>>
      %dma_start3A_63 = tpu.memref_squeeze %dma_start3A_62 : memref<1x1x4096xi32, #tpu.memory_space<hbm>> -> memref<4096xi32, #tpu.memory_space<hbm>>
      tpu.enqueue_dma source(%dma_start3A_63 : memref<4096xi32, #tpu.memory_space<hbm>>) target(%arg6 : memref<4096xi32, #tpu.memory_space<vmem>>) target_semaphore(%arg11 : memref<!tpu.dma_semaphore, #tpu.memory_space<semaphore_mem>>)
      %scan3A_64 = arith.constant 0 : i32
      %scan3A_65 = arith.constant 16 : i32
      %scan3A_66 = arith.addi %scan3A_64, %scan3A_65 : i32
      %scan3A_67 = arith.constant 1 : i32
      scf.for %scan3A_153 = %scan3A_64 to %scan3A_66 step %scan3A_67  : i32 {
        %mul3A_154 = arith.constant 16 : i32
        %mul3A_155 = arith.muli %scan3A_153, %mul3A_154 : i32
        %add3A_156 = arith.constant 0 : i32
        %add3A_157 = arith.addi %mul3A_155, %add3A_156 : i32
        %mul3A_158 = arith.constant 16 : i32
        %mul3A_159 = arith.muli %add3A_157, %mul3A_158 : i32
        %get3A = arith.index_cast %mul3A_159 : i32 to index
        %get3A_160 = tpu.vector_load %arg7[%get3A] {strides = array<i32>} : memref<4096xi32, #tpu.memory_space<vmem>>, vector<16xi32>,
        %gather3A = tpu.vector_load_idx %arg5[%get3A_160] : memref<100000xf32, #tpu.memory_space<vmem>>[vector<16xi32>], vector<16xf32>,
        %swap3A = arith.index_cast %mul3A_159 : i32 to index
        %swap3A_161 = tpu.vector_load %arg9[%swap3A] {strides = array<i32>} : memref<4096xf32, #tpu.memory_space<vmem>>, vector<16xf32>,
        tpu.vector_store %arg9[%swap3A], %gather3A {strides = array<i32>} : memref<4096xf32, #tpu.memory_space<vmem>>, vector<16xf32>,
        %mul3A_162 = arith.constant 16 : i32
        %mul3A_163 = arith.muli %scan3A_153, %mul3A_162 : i32
        %add3A_164 = arith.constant 1 : i32
        %add3A_165 = arith.addi %mul3A_163, %add3A_164 : i32
        %mul3A_166 = arith.constant 16 : i32
        %mul3A_167 = arith.muli %add3A_165, %mul3A_166 : i32
        %get3A_168 = arith.index_cast %mul3A_167 : i32 to index
        %get3A_169 = tpu.vector_load %arg7[%get3A_168] {strides = array<i32>} : memref<4096xi32, #tpu.memory_space<vmem>>, vector<16xi32>,
        %gather3A_170 = tpu.vector_load_idx %arg5[%get3A_169] : memref<100000xf32, #tpu.memory_space<vmem>>[vector<16xi32>], vector<16xf32>,
        %swap3A_171 = arith.index_cast %mul3A_167 : i32 to index
        %swap3A_172 = tpu.vector_load %arg9[%swap3A_171] {strides = array<i32>} : memref<4096xf32, #tpu.memory_space<vmem>>, vector<16xf32>,
        tpu.vector_store %arg9[%swap3A_171], %gather3A_170 {strides = array<i32>} : memref<4096xf32, #tpu.memory_space<vmem>>, vector<16xf32>,
        %mul3A_173 = arith.constant 16 : i32
        %mul3A_174 = arith.muli %scan3A_153, %mul3A_173 : i32
        %add3A_175 = arith.constant 2 : i32
        %add3A_176 = arith.addi %mul3A_174, %add3A_175 : i32
        %mul3A_177 = arith.constant 16 : i32
        %mul3A_178 = arith.muli %add3A_176, %mul3A_177 : i32
        %get3A_179 = arith.index_cast %mul3A_178 : i32 to index
        %get3A_180 = tpu.vector_load %arg7[%get3A_179] {strides = array<i32>} : memref<4096xi32, #tpu.memory_space<vmem>>, vector<16xi32>,
        %gather3A_181 = tpu.vector_load_idx %arg5[%get3A_180] : memref<100000xf32, #tpu.memory_space<vmem>>[vector<16xi32>], vector<16xf32>,
        %swap3A_182 = arith.index_cast %mul3A_178 : i32 to index
        %swap3A_183 = tpu.vector_load %arg9[%swap3A_182] {strides = array<i32>} : memref<4096xf32, #tpu.memory_space<vmem>>, vector<16xf32>,
        tpu.vector_store %arg9[%swap3A_182], %gather3A_181 {strides = array<i32>} : memref<4096xf32, #tpu.memory_space<vmem>>, vector<16xf32>,
        %mul3A_184 = arith.constant 16 : i32
        %mul3A_185 = arith.muli %scan3A_153, %mul3A_184 : i32
        %add3A_186 = arith.constant 3 : i32
        %add3A_187 = arith.addi %mul3A_185, %add3A_186 : i32
        %mul3A_188 = arith.constant 16 : i32
        %mul3A_189 = arith.muli %add3A_187, %mul3A_188 : i32
        %get3A_190 = arith.index_cast %mul3A_189 : i32 to index
        %get3A_191 = tpu.vector_load %arg7[%get3A_190] {strides = array<i32>} : memref<4096xi32, #tpu.memory_space<vmem>>, vector<16xi32>,
        %gather3A_192 = tpu.vector_load_idx %arg5[%get3A_191] : memref<100000xf32, #tpu.memory_space<vmem>>[vector<16xi32>], vector<16xf32>,
        %swap3A_193 = arith.index_cast %mul3A_189 : i32 to index
        %swap3A_194 = tpu.vector_load %arg9[%swap3A_193] {strides = array<i32>} : memref<4096xf32, #tpu.memory_space<vmem>>, vector<16xf32>,
        tpu.vector_store %arg9[%swap3A_193], %gather3A_192 {strides = array<i32>} : memref<4096xf32, #tpu.memory_space<vmem>>, vector<16xf32>,
        %mul3A_195 = arith.constant 16 : i32
        %mul3A_196 = arith.muli %scan3A_153, %mul3A_195 : i32
        %add3A_197 = arith.constant 4 : i32
        %add3A_198 = arith.addi %mul3A_196, %add3A_197 : i32
        %mul3A_199 = arith.constant 16 : i32
        %mul3A_200 = arith.muli %add3A_198, %mul3A_199 : i32
        %get3A_201 = arith.index_cast %mul3A_200 : i32 to index
        %get3A_202 = tpu.vector_load %arg7[%get3A_201] {strides = array<i32>} : memref<4096xi32, #tpu.memory_space<vmem>>, vector<16xi32>,
        %gather3A_203 = tpu.vector_load_idx %arg5[%get3A_202] : memref<100000xf32, #tpu.memory_space<vmem>>[vector<16xi32>], vector<16xf32>,
        %swap3A_204 = arith.index_cast %mul3A_200 : i32 to index
        %swap3A_205 = tpu.vector_load %arg9[%swap3A_204] {strides = array<i32>} : memref<4096xf32, #tpu.memory_space<vmem>>, vector<16xf32>,
        tpu.vector_store %arg9[%swap3A_204], %gather3A_203 {strides = array<i32>} : memref<4096xf32, #tpu.memory_space<vmem>>, vector<16xf32>,
        %mul3A_206 = arith.constant 16 : i32
        %mul3A_207 = arith.muli %scan3A_153, %mul3A_206 : i32
        %add3A_208 = arith.constant 5 : i32
        %add3A_209 = arith.addi %mul3A_207, %add3A_208 : i32
        %mul3A_210 = arith.constant 16 : i32
        %mul3A_211 = arith.muli %add3A_209, %mul3A_210 : i32
        %get3A_212 = arith.index_cast %mul3A_211 : i32 to index
        %get3A_213 = tpu.vector_load %arg7[%get3A_212] {strides = array<i32>} : memref<4096xi32, #tpu.memory_space<vmem>>, vector<16xi32>,
        %gather3A_214 = tpu.vector_load_idx %arg5[%get3A_213] : memref<100000xf32, #tpu.memory_space<vmem>>[vector<16xi32>], vector<16xf32>,
        %swap3A_215 = arith.index_cast %mul3A_211 : i32 to index
        %swap3A_216 = tpu.vector_load %arg9[%swap3A_215] {strides = array<i32>} : memref<4096xf32, #tpu.memory_space<vmem>>, vector<16xf32>,
        tpu.vector_store %arg9[%swap3A_215], %gather3A_214 {strides = array<i32>} : memref<4096xf32, #tpu.memory_space<vmem>>, vector<16xf32>,
        %mul3A_217 = arith.constant 16 : i32
        %mul3A_218 = arith.muli %scan3A_153, %mul3A_217 : i32
        %add3A_219 = arith.constant 6 : i32
        %add3A_220 = arith.addi %mul3A_218, %add3A_219 : i32
        %mul3A_221 = arith.constant 16 : i32
        %mul3A_222 = arith.muli %add3A_220, %mul3A_221 : i32
        %get3A_223 = arith.index_cast %mul3A_222 : i32 to index
        %get3A_224 = tpu.vector_load %arg7[%get3A_223] {strides = array<i32>} : memref<4096xi32, #tpu.memory_space<vmem>>, vector<16xi32>,
        %gather3A_225 = tpu.vector_load_idx %arg5[%get3A_224] : memref<100000xf32, #tpu.memory_space<vmem>>[vector<16xi32>], vector<16xf32>,
        %swap3A_226 = arith.index_cast %mul3A_222 : i32 to index
        %swap3A_227 = tpu.vector_load %arg9[%swap3A_226] {strides = array<i32>} : memref<4096xf32, #tpu.memory_space<vmem>>, vector<16xf32>,
        tpu.vector_store %arg9[%swap3A_226], %gather3A_225 {strides = array<i32>} : memref<4096xf32, #tpu.memory_space<vmem>>, vector<16xf32>,
        %mul3A_228 = arith.constant 16 : i32
        %mul3A_229 = arith.muli %scan3A_153, %mul3A_228 : i32
        %add3A_230 = arith.constant 7 : i32
        %add3A_231 = arith.addi %mul3A_229, %add3A_230 : i32
        %mul3A_232 = arith.constant 16 : i32
        %mul3A_233 = arith.muli %add3A_231, %mul3A_232 : i32
        %get3A_234 = arith.index_cast %mul3A_233 : i32 to index
        %get3A_235 = tpu.vector_load %arg7[%get3A_234] {strides = array<i32>} : memref<4096xi32, #tpu.memory_space<vmem>>, vector<16xi32>,
        %gather3A_236 = tpu.vector_load_idx %arg5[%get3A_235] : memref<100000xf32, #tpu.memory_space<vmem>>[vector<16xi32>], vector<16xf32>,
        %swap3A_237 = arith.index_cast %mul3A_233 : i32 to index
        %swap3A_238 = tpu.vector_load %arg9[%swap3A_237] {strides = array<i32>} : memref<4096xf32, #tpu.memory_space<vmem>>, vector<16xf32>,
        tpu.vector_store %arg9[%swap3A_237], %gather3A_236 {strides = array<i32>} : memref<4096xf32, #tpu.memory_space<vmem>>, vector<16xf32>,
        %mul3A_239 = arith.constant 16 : i32
        %mul3A_240 = arith.muli %scan3A_153, %mul3A_239 : i32
        %add3A_241 = arith.constant 8 : i32
        %add3A_242 = arith.addi %mul3A_240, %add3A_241 : i32
        %mul3A_243 = arith.constant 16 : i32
        %mul3A_244 = arith.muli %add3A_242, %mul3A_243 : i32
        %get3A_245 = arith.index_cast %mul3A_244 : i32 to index
        %get3A_246 = tpu.vector_load %arg7[%get3A_245] {strides = array<i32>} : memref<4096xi32, #tpu.memory_space<vmem>>, vector<16xi32>,
        %gather3A_247 = tpu.vector_load_idx %arg5[%get3A_246] : memref<100000xf32, #tpu.memory_space<vmem>>[vector<16xi32>], vector<16xf32>,
        %swap3A_248 = arith.index_cast %mul3A_244 : i32 to index
        %swap3A_249 = tpu.vector_load %arg9[%swap3A_248] {strides = array<i32>} : memref<4096xf32, #tpu.memory_space<vmem>>, vector<16xf32>,
        tpu.vector_store %arg9[%swap3A_248], %gather3A_247 {strides = array<i32>} : memref<4096xf32, #tpu.memory_space<vmem>>, vector<16xf32>,
        %mul3A_250 = arith.constant 16 : i32
        %mul3A_251 = arith.muli %scan3A_153, %mul3A_250 : i32
        %add3A_252 = arith.constant 9 : i32
        %add3A_253 = arith.addi %mul3A_251, %add3A_252 : i32
        %mul3A_254 = arith.constant 16 : i32
        %mul3A_255 = arith.muli %add3A_253, %mul3A_254 : i32
        %get3A_256 = arith.index_cast %mul3A_255 : i32 to index
        %get3A_257 = tpu.vector_load %arg7[%get3A_256] {strides = array<i32>} : memref<4096xi32, #tpu.memory_space<vmem>>, vector<16xi32>,
        %gather3A_258 = tpu.vector_load_idx %arg5[%get3A_257] : memref<100000xf32, #tpu.memory_space<vmem>>[vector<16xi32>], vector<16xf32>,
        %swap3A_259 = arith.index_cast %mul3A_255 : i32 to index
        %swap3A_260 = tpu.vector_load %arg9[%swap3A_259] {strides = array<i32>} : memref<4096xf32, #tpu.memory_space<vmem>>, vector<16xf32>,
        tpu.vector_store %arg9[%swap3A_259], %gather3A_258 {strides = array<i32>} : memref<4096xf32, #tpu.memory_space<vmem>>, vector<16xf32>,
        %mul3A_261 = arith.constant 16 : i32
        %mul3A_262 = arith.muli %scan3A_153, %mul3A_261 : i32
        %add3A_263 = arith.constant 10 : i32
        %add3A_264 = arith.addi %mul3A_262, %add3A_263 : i32
        %mul3A_265 = arith.constant 16 : i32
        %mul3A_266 = arith.muli %add3A_264, %mul3A_265 : i32
        %get3A_267 = arith.index_cast %mul3A_266 : i32 to index
        %get3A_268 = tpu.vector_load %arg7[%get3A_267] {strides = array<i32>} : memref<4096xi32, #tpu.memory_space<vmem>>, vector<16xi32>,
        %gather3A_269 = tpu.vector_load_idx %arg5[%get3A_268] : memref<100000xf32, #tpu.memory_space<vmem>>[vector<16xi32>], vector<16xf32>,
        %swap3A_270 = arith.index_cast %mul3A_266 : i32 to index
        %swap3A_271 = tpu.vector_load %arg9[%swap3A_270] {strides = array<i32>} : memref<4096xf32, #tpu.memory_space<vmem>>, vector<16xf32>,
        tpu.vector_store %arg9[%swap3A_270], %gather3A_269 {strides = array<i32>} : memref<4096xf32, #tpu.memory_space<vmem>>, vector<16xf32>,
        %mul3A_272 = arith.constant 16 : i32
        %mul3A_273 = arith.muli %scan3A_153, %mul3A_272 : i32
        %add3A_274 = arith.constant 11 : i32
        %add3A_275 = arith.addi %mul3A_273, %add3A_274 : i32
        %mul3A_276 = arith.constant 16 : i32
        %mul3A_277 = arith.muli %add3A_275, %mul3A_276 : i32
        %get3A_278 = arith.index_cast %mul3A_277 : i32 to index
        %get3A_279 = tpu.vector_load %arg7[%get3A_278] {strides = array<i32>} : memref<4096xi32, #tpu.memory_space<vmem>>, vector<16xi32>,
        %gather3A_280 = tpu.vector_load_idx %arg5[%get3A_279] : memref<100000xf32, #tpu.memory_space<vmem>>[vector<16xi32>], vector<16xf32>,
        %swap3A_281 = arith.index_cast %mul3A_277 : i32 to index
        %swap3A_282 = tpu.vector_load %arg9[%swap3A_281] {strides = array<i32>} : memref<4096xf32, #tpu.memory_space<vmem>>, vector<16xf32>,
        tpu.vector_store %arg9[%swap3A_281], %gather3A_280 {strides = array<i32>} : memref<4096xf32, #tpu.memory_space<vmem>>, vector<16xf32>,
        %mul3A_283 = arith.constant 16 : i32
        %mul3A_284 = arith.muli %scan3A_153, %mul3A_283 : i32
        %add3A_285 = arith.constant 12 : i32
        %add3A_286 = arith.addi %mul3A_284, %add3A_285 : i32
        %mul3A_287 = arith.constant 16 : i32
        %mul3A_288 = arith.muli %add3A_286, %mul3A_287 : i32
        %get3A_289 = arith.index_cast %mul3A_288 : i32 to index
        %get3A_290 = tpu.vector_load %arg7[%get3A_289] {strides = array<i32>} : memref<4096xi32, #tpu.memory_space<vmem>>, vector<16xi32>,
        %gather3A_291 = tpu.vector_load_idx %arg5[%get3A_290] : memref<100000xf32, #tpu.memory_space<vmem>>[vector<16xi32>], vector<16xf32>,
        %swap3A_292 = arith.index_cast %mul3A_288 : i32 to index
        %swap3A_293 = tpu.vector_load %arg9[%swap3A_292] {strides = array<i32>} : memref<4096xf32, #tpu.memory_space<vmem>>, vector<16xf32>,
        tpu.vector_store %arg9[%swap3A_292], %gather3A_291 {strides = array<i32>} : memref<4096xf32, #tpu.memory_space<vmem>>, vector<16xf32>,
        %mul3A_294 = arith.constant 16 : i32
        %mul3A_295 = arith.muli %scan3A_153, %mul3A_294 : i32
        %add3A_296 = arith.constant 13 : i32
        %add3A_297 = arith.addi %mul3A_295, %add3A_296 : i32
        %mul3A_298 = arith.constant 16 : i32
        %mul3A_299 = arith.muli %add3A_297, %mul3A_298 : i32
        %get3A_300 = arith.index_cast %mul3A_299 : i32 to index
        %get3A_301 = tpu.vector_load %arg7[%get3A_300] {strides = array<i32>} : memref<4096xi32, #tpu.memory_space<vmem>>, vector<16xi32>,
        %gather3A_302 = tpu.vector_load_idx %arg5[%get3A_301] : memref<100000xf32, #tpu.memory_space<vmem>>[vector<16xi32>], vector<16xf32>,
        %swap3A_303 = arith.index_cast %mul3A_299 : i32 to index
        %swap3A_304 = tpu.vector_load %arg9[%swap3A_303] {strides = array<i32>} : memref<4096xf32, #tpu.memory_space<vmem>>, vector<16xf32>,
        tpu.vector_store %arg9[%swap3A_303], %gather3A_302 {strides = array<i32>} : memref<4096xf32, #tpu.memory_space<vmem>>, vector<16xf32>,
        %mul3A_305 = arith.constant 16 : i32
        %mul3A_306 = arith.muli %scan3A_153, %mul3A_305 : i32
        %add3A_307 = arith.constant 14 : i32
        %add3A_308 = arith.addi %mul3A_306, %add3A_307 : i32
        %mul3A_309 = arith.constant 16 : i32
        %mul3A_310 = arith.muli %add3A_308, %mul3A_309 : i32
        %get3A_311 = arith.index_cast %mul3A_310 : i32 to index
        %get3A_312 = tpu.vector_load %arg7[%get3A_311] {strides = array<i32>} : memref<4096xi32, #tpu.memory_space<vmem>>, vector<16xi32>,
        %gather3A_313 = tpu.vector_load_idx %arg5[%get3A_312] : memref<100000xf32, #tpu.memory_space<vmem>>[vector<16xi32>], vector<16xf32>,
        %swap3A_314 = arith.index_cast %mul3A_310 : i32 to index
        %swap3A_315 = tpu.vector_load %arg9[%swap3A_314] {strides = array<i32>} : memref<4096xf32, #tpu.memory_space<vmem>>, vector<16xf32>,
        tpu.vector_store %arg9[%swap3A_314], %gather3A_313 {strides = array<i32>} : memref<4096xf32, #tpu.memory_space<vmem>>, vector<16xf32>,
        %mul3A_316 = arith.constant 16 : i32
        %mul3A_317 = arith.muli %scan3A_153, %mul3A_316 : i32
        %add3A_318 = arith.constant 15 : i32
        %add3A_319 = arith.addi %mul3A_317, %add3A_318 : i32
        %mul3A_320 = arith.constant 16 : i32
        %mul3A_321 = arith.muli %add3A_319, %mul3A_320 : i32
        %get3A_322 = arith.index_cast %mul3A_321 : i32 to index
        %get3A_323 = tpu.vector_load %arg7[%get3A_322] {strides = array<i32>} : memref<4096xi32, #tpu.memory_space<vmem>>, vector<16xi32>,
        %gather3A_324 = tpu.vector_load_idx %arg5[%get3A_323] : memref<100000xf32, #tpu.memory_space<vmem>>[vector<16xi32>], vector<16xf32>,
        %swap3A_325 = arith.index_cast %mul3A_321 : i32 to index
        %swap3A_326 = tpu.vector_load %arg9[%swap3A_325] {strides = array<i32>} : memref<4096xf32, #tpu.memory_space<vmem>>, vector<16xf32>,
        tpu.vector_store %arg9[%swap3A_325], %gather3A_324 {strides = array<i32>} : memref<4096xf32, #tpu.memory_space<vmem>>, vector<16xf32>,
      }
      %scan3A_68 = arith.constant 16 : i32
      %dma_start3A_69 = arith.constant 1 : i32
      %dma_start3A_70 = arith.constant 0 : i32
      %dma_start3A_71 = tpu.memref_slice %arg4[%dma_start3A_69, %scan3A_11, %add3A, %dma_start3A_70] : memref<4x26x32x4096xf32, #tpu.memory_space<hbm>> -> memref<1x1x1x4096xf32, #tpu.memory_space<hbm>>
      %dma_start3A_72 = tpu.memref_squeeze %dma_start3A_71 : memref<1x1x1x4096xf32, #tpu.memory_space<hbm>> -> memref<4096xf32, #tpu.memory_space<hbm>>
      %dma_start3A_73 = arith.constant 0 : i32
      %dma_start3A_74 = tpu.memref_slice %arg4[%dma_start3A_69, %scan3A_11, %add3A, %dma_start3A_73] : memref<4x26x32x4096xf32, #tpu.memory_space<hbm>> -> memref<1x1x1x4096xf32, #tpu.memory_space<hbm>>
      %dma_start3A_75 = tpu.memref_squeeze %dma_start3A_74 : memref<1x1x1x4096xf32, #tpu.memory_space<hbm>> -> memref<4096xf32, #tpu.memory_space<hbm>>
      tpu.enqueue_dma source(%arg9 : memref<4096xf32, #tpu.memory_space<vmem>>) target(%dma_start3A_75 : memref<4096xf32, #tpu.memory_space<hbm>>) target_semaphore(%arg12 : memref<!tpu.dma_semaphore, #tpu.memory_space<semaphore_mem>>)
      %dma_wait3A_76 = arith.constant 2 : i32
      %dma_wait3A_77 = arith.constant 0 : i32
      %dma_wait3A_78 = tpu.memref_slice %arg2[%scan3A_11, %dma_wait3A_76, %dma_wait3A_77] : memref<26x4x4096xi32, #tpu.memory_space<hbm>> -> memref<1x1x4096xi32, #tpu.memory_space<hbm>>
      %dma_wait3A_79 = tpu.memref_squeeze %dma_wait3A_78 : memref<1x1x4096xi32, #tpu.memory_space<hbm>> -> memref<4096xi32, #tpu.memory_space<hbm>>
      %dma_wait3A_80 = arith.constant 0 : i32
      %dma_wait3A_81 = tpu.memref_slice %arg2[%scan3A_11, %dma_wait3A_76, %dma_wait3A_80] : memref<26x4x4096xi32, #tpu.memory_space<hbm>> -> memref<1x1x4096xi32, #tpu.memory_space<hbm>>
      %dma_wait3A_82 = tpu.memref_squeeze %dma_wait3A_81 : memref<1x1x4096xi32, #tpu.memory_space<hbm>> -> memref<4096xi32, #tpu.memory_space<hbm>>
      tpu.wait_dma2 semaphore(%arg11 : memref<!tpu.dma_semaphore, #tpu.memory_space<semaphore_mem>>) src(%dma_wait3A_82 : memref<4096xi32, #tpu.memory_space<hbm>>) dst(%arg6 : memref<4096xi32, #tpu.memory_space<vmem>>)
      %dma_start3A_83 = arith.constant 3 : i32
      %dma_start3A_84 = arith.constant 0 : i32
      %dma_start3A_85 = tpu.memref_slice %arg2[%scan3A_11, %dma_start3A_83, %dma_start3A_84] : memref<26x4x4096xi32, #tpu.memory_space<hbm>> -> memref<1x1x4096xi32, #tpu.memory_space<hbm>>
      %dma_start3A_86 = tpu.memref_squeeze %dma_start3A_85 : memref<1x1x4096xi32, #tpu.memory_space<hbm>> -> memref<4096xi32, #tpu.memory_space<hbm>>
      %dma_start3A_87 = arith.constant 0 : i32
      %dma_start3A_88 = tpu.memref_slice %arg2[%scan3A_11, %dma_start3A_83, %dma_start3A_87] : memref<26x4x4096xi32, #tpu.memory_space<hbm>> -> memref<1x1x4096xi32, #tpu.memory_space<hbm>>
      %dma_start3A_89 = tpu.memref_squeeze %dma_start3A_88 : memref<1x1x4096xi32, #tpu.memory_space<hbm>> -> memref<4096xi32, #tpu.memory_space<hbm>>
      tpu.enqueue_dma source(%dma_start3A_89 : memref<4096xi32, #tpu.memory_space<hbm>>) target(%arg7 : memref<4096xi32, #tpu.memory_space<vmem>>) target_semaphore(%arg11 : memref<!tpu.dma_semaphore, #tpu.memory_space<semaphore_mem>>)
      %dma_wait3A_90 = arith.constant 0 : i32
      %dma_wait3A_91 = arith.constant 0 : i32
      %dma_wait3A_92 = tpu.memref_slice %arg4[%dma_wait3A_90, %scan3A_11, %add3A, %dma_wait3A_91] : memref<4x26x32x4096xf32, #tpu.memory_space<hbm>> -> memref<1x1x1x4096xf32, #tpu.memory_space<hbm>>
      %dma_wait3A_93 = tpu.memref_squeeze %dma_wait3A_92 : memref<1x1x1x4096xf32, #tpu.memory_space<hbm>> -> memref<4096xf32, #tpu.memory_space<hbm>>
      %dma_wait3A_94 = arith.constant 0 : i32
      %dma_wait3A_95 = tpu.memref_slice %arg4[%dma_wait3A_90, %scan3A_11, %add3A, %dma_wait3A_94] : memref<4x26x32x4096xf32, #tpu.memory_space<hbm>> -> memref<1x1x1x4096xf32, #tpu.memory_space<hbm>>
      %dma_wait3A_96 = tpu.memref_squeeze %dma_wait3A_95 : memref<1x1x1x4096xf32, #tpu.memory_space<hbm>> -> memref<4096xf32, #tpu.memory_space<hbm>>
      tpu.wait_dma2 semaphore(%arg12 : memref<!tpu.dma_semaphore, #tpu.memory_space<semaphore_mem>>) src(%arg8 : memref<4096xf32, #tpu.memory_space<vmem>>) dst(%dma_wait3A_96 : memref<4096xf32, #tpu.memory_space<hbm>>)
      %scan3A_97 = arith.constant 0 : i32
      %scan3A_98 = arith.constant 16 : i32
      %scan3A_99 = arith.addi %scan3A_97, %scan3A_98 : i32
      %scan3A_100 = arith.constant 1 : i32
      scf.for %scan3A_153 = %scan3A_97 to %scan3A_99 step %scan3A_100  : i32 {
        %mul3A_154 = arith.constant 16 : i32
        %mul3A_155 = arith.muli %scan3A_153, %mul3A_154 : i32
        %add3A_156 = arith.constant 0 : i32
        %add3A_157 = arith.addi %mul3A_155, %add3A_156 : i32
        %mul3A_158 = arith.constant 16 : i32
        %mul3A_159 = arith.muli %add3A_157, %mul3A_158 : i32
        %get3A = arith.index_cast %mul3A_159 : i32 to index
        %get3A_160 = tpu.vector_load %arg6[%get3A] {strides = array<i32>} : memref<4096xi32, #tpu.memory_space<vmem>>, vector<16xi32>,
        %gather3A = tpu.vector_load_idx %arg5[%get3A_160] : memref<100000xf32, #tpu.memory_space<vmem>>[vector<16xi32>], vector<16xf32>,
        %swap3A = arith.index_cast %mul3A_159 : i32 to index
        %swap3A_161 = tpu.vector_load %arg8[%swap3A] {strides = array<i32>} : memref<4096xf32, #tpu.memory_space<vmem>>, vector<16xf32>,
        tpu.vector_store %arg8[%swap3A], %gather3A {strides = array<i32>} : memref<4096xf32, #tpu.memory_space<vmem>>, vector<16xf32>,
        %mul3A_162 = arith.constant 16 : i32
        %mul3A_163 = arith.muli %scan3A_153, %mul3A_162 : i32
        %add3A_164 = arith.constant 1 : i32
        %add3A_165 = arith.addi %mul3A_163, %add3A_164 : i32
        %mul3A_166 = arith.constant 16 : i32
        %mul3A_167 = arith.muli %add3A_165, %mul3A_166 : i32
        %get3A_168 = arith.index_cast %mul3A_167 : i32 to index
        %get3A_169 = tpu.vector_load %arg6[%get3A_168] {strides = array<i32>} : memref<4096xi32, #tpu.memory_space<vmem>>, vector<16xi32>,
        %gather3A_170 = tpu.vector_load_idx %arg5[%get3A_169] : memref<100000xf32, #tpu.memory_space<vmem>>[vector<16xi32>], vector<16xf32>,
        %swap3A_171 = arith.index_cast %mul3A_167 : i32 to index
        %swap3A_172 = tpu.vector_load %arg8[%swap3A_171] {strides = array<i32>} : memref<4096xf32, #tpu.memory_space<vmem>>, vector<16xf32>,
        tpu.vector_store %arg8[%swap3A_171], %gather3A_170 {strides = array<i32>} : memref<4096xf32, #tpu.memory_space<vmem>>, vector<16xf32>,
        %mul3A_173 = arith.constant 16 : i32
        %mul3A_174 = arith.muli %scan3A_153, %mul3A_173 : i32
        %add3A_175 = arith.constant 2 : i32
        %add3A_176 = arith.addi %mul3A_174, %add3A_175 : i32
        %mul3A_177 = arith.constant 16 : i32
        %mul3A_178 = arith.muli %add3A_176, %mul3A_177 : i32
        %get3A_179 = arith.index_cast %mul3A_178 : i32 to index
        %get3A_180 = tpu.vector_load %arg6[%get3A_179] {strides = array<i32>} : memref<4096xi32, #tpu.memory_space<vmem>>, vector<16xi32>,
        %gather3A_181 = tpu.vector_load_idx %arg5[%get3A_180] : memref<100000xf32, #tpu.memory_space<vmem>>[vector<16xi32>], vector<16xf32>,
        %swap3A_182 = arith.index_cast %mul3A_178 : i32 to index
        %swap3A_183 = tpu.vector_load %arg8[%swap3A_182] {strides = array<i32>} : memref<4096xf32, #tpu.memory_space<vmem>>, vector<16xf32>,
        tpu.vector_store %arg8[%swap3A_182], %gather3A_181 {strides = array<i32>} : memref<4096xf32, #tpu.memory_space<vmem>>, vector<16xf32>,
        %mul3A_184 = arith.constant 16 : i32
        %mul3A_185 = arith.muli %scan3A_153, %mul3A_184 : i32
        %add3A_186 = arith.constant 3 : i32
        %add3A_187 = arith.addi %mul3A_185, %add3A_186 : i32
        %mul3A_188 = arith.constant 16 : i32
        %mul3A_189 = arith.muli %add3A_187, %mul3A_188 : i32
        %get3A_190 = arith.index_cast %mul3A_189 : i32 to index
        %get3A_191 = tpu.vector_load %arg6[%get3A_190] {strides = array<i32>} : memref<4096xi32, #tpu.memory_space<vmem>>, vector<16xi32>,
        %gather3A_192 = tpu.vector_load_idx %arg5[%get3A_191] : memref<100000xf32, #tpu.memory_space<vmem>>[vector<16xi32>], vector<16xf32>,
        %swap3A_193 = arith.index_cast %mul3A_189 : i32 to index
        %swap3A_194 = tpu.vector_load %arg8[%swap3A_193] {strides = array<i32>} : memref<4096xf32, #tpu.memory_space<vmem>>, vector<16xf32>,
        tpu.vector_store %arg8[%swap3A_193], %gather3A_192 {strides = array<i32>} : memref<4096xf32, #tpu.memory_space<vmem>>, vector<16xf32>,
        %mul3A_195 = arith.constant 16 : i32
        %mul3A_196 = arith.muli %scan3A_153, %mul3A_195 : i32
        %add3A_197 = arith.constant 4 : i32
        %add3A_198 = arith.addi %mul3A_196, %add3A_197 : i32
        %mul3A_199 = arith.constant 16 : i32
        %mul3A_200 = arith.muli %add3A_198, %mul3A_199 : i32
        %get3A_201 = arith.index_cast %mul3A_200 : i32 to index
        %get3A_202 = tpu.vector_load %arg6[%get3A_201] {strides = array<i32>} : memref<4096xi32, #tpu.memory_space<vmem>>, vector<16xi32>,
        %gather3A_203 = tpu.vector_load_idx %arg5[%get3A_202] : memref<100000xf32, #tpu.memory_space<vmem>>[vector<16xi32>], vector<16xf32>,
        %swap3A_204 = arith.index_cast %mul3A_200 : i32 to index
        %swap3A_205 = tpu.vector_load %arg8[%swap3A_204] {strides = array<i32>} : memref<4096xf32, #tpu.memory_space<vmem>>, vector<16xf32>,
        tpu.vector_store %arg8[%swap3A_204], %gather3A_203 {strides = array<i32>} : memref<4096xf32, #tpu.memory_space<vmem>>, vector<16xf32>,
        %mul3A_206 = arith.constant 16 : i32
        %mul3A_207 = arith.muli %scan3A_153, %mul3A_206 : i32
        %add3A_208 = arith.constant 5 : i32
        %add3A_209 = arith.addi %mul3A_207, %add3A_208 : i32
        %mul3A_210 = arith.constant 16 : i32
        %mul3A_211 = arith.muli %add3A_209, %mul3A_210 : i32
        %get3A_212 = arith.index_cast %mul3A_211 : i32 to index
        %get3A_213 = tpu.vector_load %arg6[%get3A_212] {strides = array<i32>} : memref<4096xi32, #tpu.memory_space<vmem>>, vector<16xi32>,
        %gather3A_214 = tpu.vector_load_idx %arg5[%get3A_213] : memref<100000xf32, #tpu.memory_space<vmem>>[vector<16xi32>], vector<16xf32>,
        %swap3A_215 = arith.index_cast %mul3A_211 : i32 to index
        %swap3A_216 = tpu.vector_load %arg8[%swap3A_215] {strides = array<i32>} : memref<4096xf32, #tpu.memory_space<vmem>>, vector<16xf32>,
        tpu.vector_store %arg8[%swap3A_215], %gather3A_214 {strides = array<i32>} : memref<4096xf32, #tpu.memory_space<vmem>>, vector<16xf32>,
        %mul3A_217 = arith.constant 16 : i32
        %mul3A_218 = arith.muli %scan3A_153, %mul3A_217 : i32
        %add3A_219 = arith.constant 6 : i32
        %add3A_220 = arith.addi %mul3A_218, %add3A_219 : i32
        %mul3A_221 = arith.constant 16 : i32
        %mul3A_222 = arith.muli %add3A_220, %mul3A_221 : i32
        %get3A_223 = arith.index_cast %mul3A_222 : i32 to index
        %get3A_224 = tpu.vector_load %arg6[%get3A_223] {strides = array<i32>} : memref<4096xi32, #tpu.memory_space<vmem>>, vector<16xi32>,
        %gather3A_225 = tpu.vector_load_idx %arg5[%get3A_224] : memref<100000xf32, #tpu.memory_space<vmem>>[vector<16xi32>], vector<16xf32>,
        %swap3A_226 = arith.index_cast %mul3A_222 : i32 to index
        %swap3A_227 = tpu.vector_load %arg8[%swap3A_226] {strides = array<i32>} : memref<4096xf32, #tpu.memory_space<vmem>>, vector<16xf32>,
        tpu.vector_store %arg8[%swap3A_226], %gather3A_225 {strides = array<i32>} : memref<4096xf32, #tpu.memory_space<vmem>>, vector<16xf32>,
        %mul3A_228 = arith.constant 16 : i32
        %mul3A_229 = arith.muli %scan3A_153, %mul3A_228 : i32
        %add3A_230 = arith.constant 7 : i32
        %add3A_231 = arith.addi %mul3A_229, %add3A_230 : i32
        %mul3A_232 = arith.constant 16 : i32
        %mul3A_233 = arith.muli %add3A_231, %mul3A_232 : i32
        %get3A_234 = arith.index_cast %mul3A_233 : i32 to index
        %get3A_235 = tpu.vector_load %arg6[%get3A_234] {strides = array<i32>} : memref<4096xi32, #tpu.memory_space<vmem>>, vector<16xi32>,
        %gather3A_236 = tpu.vector_load_idx %arg5[%get3A_235] : memref<100000xf32, #tpu.memory_space<vmem>>[vector<16xi32>], vector<16xf32>,
        %swap3A_237 = arith.index_cast %mul3A_233 : i32 to index
        %swap3A_238 = tpu.vector_load %arg8[%swap3A_237] {strides = array<i32>} : memref<4096xf32, #tpu.memory_space<vmem>>, vector<16xf32>,
        tpu.vector_store %arg8[%swap3A_237], %gather3A_236 {strides = array<i32>} : memref<4096xf32, #tpu.memory_space<vmem>>, vector<16xf32>,
        %mul3A_239 = arith.constant 16 : i32
        %mul3A_240 = arith.muli %scan3A_153, %mul3A_239 : i32
        %add3A_241 = arith.constant 8 : i32
        %add3A_242 = arith.addi %mul3A_240, %add3A_241 : i32
        %mul3A_243 = arith.constant 16 : i32
        %mul3A_244 = arith.muli %add3A_242, %mul3A_243 : i32
        %get3A_245 = arith.index_cast %mul3A_244 : i32 to index
        %get3A_246 = tpu.vector_load %arg6[%get3A_245] {strides = array<i32>} : memref<4096xi32, #tpu.memory_space<vmem>>, vector<16xi32>,
        %gather3A_247 = tpu.vector_load_idx %arg5[%get3A_246] : memref<100000xf32, #tpu.memory_space<vmem>>[vector<16xi32>], vector<16xf32>,
        %swap3A_248 = arith.index_cast %mul3A_244 : i32 to index
        %swap3A_249 = tpu.vector_load %arg8[%swap3A_248] {strides = array<i32>} : memref<4096xf32, #tpu.memory_space<vmem>>, vector<16xf32>,
        tpu.vector_store %arg8[%swap3A_248], %gather3A_247 {strides = array<i32>} : memref<4096xf32, #tpu.memory_space<vmem>>, vector<16xf32>,
        %mul3A_250 = arith.constant 16 : i32
        %mul3A_251 = arith.muli %scan3A_153, %mul3A_250 : i32
        %add3A_252 = arith.constant 9 : i32
        %add3A_253 = arith.addi %mul3A_251, %add3A_252 : i32
        %mul3A_254 = arith.constant 16 : i32
        %mul3A_255 = arith.muli %add3A_253, %mul3A_254 : i32
        %get3A_256 = arith.index_cast %mul3A_255 : i32 to index
        %get3A_257 = tpu.vector_load %arg6[%get3A_256] {strides = array<i32>} : memref<4096xi32, #tpu.memory_space<vmem>>, vector<16xi32>,
        %gather3A_258 = tpu.vector_load_idx %arg5[%get3A_257] : memref<100000xf32, #tpu.memory_space<vmem>>[vector<16xi32>], vector<16xf32>,
        %swap3A_259 = arith.index_cast %mul3A_255 : i32 to index
        %swap3A_260 = tpu.vector_load %arg8[%swap3A_259] {strides = array<i32>} : memref<4096xf32, #tpu.memory_space<vmem>>, vector<16xf32>,
        tpu.vector_store %arg8[%swap3A_259], %gather3A_258 {strides = array<i32>} : memref<4096xf32, #tpu.memory_space<vmem>>, vector<16xf32>,
        %mul3A_261 = arith.constant 16 : i32
        %mul3A_262 = arith.muli %scan3A_153, %mul3A_261 : i32
        %add3A_263 = arith.constant 10 : i32
        %add3A_264 = arith.addi %mul3A_262, %add3A_263 : i32
        %mul3A_265 = arith.constant 16 : i32
        %mul3A_266 = arith.muli %add3A_264, %mul3A_265 : i32
        %get3A_267 = arith.index_cast %mul3A_266 : i32 to index
        %get3A_268 = tpu.vector_load %arg6[%get3A_267] {strides = array<i32>} : memref<4096xi32, #tpu.memory_space<vmem>>, vector<16xi32>,
        %gather3A_269 = tpu.vector_load_idx %arg5[%get3A_268] : memref<100000xf32, #tpu.memory_space<vmem>>[vector<16xi32>], vector<16xf32>,
        %swap3A_270 = arith.index_cast %mul3A_266 : i32 to index
        %swap3A_271 = tpu.vector_load %arg8[%swap3A_270] {strides = array<i32>} : memref<4096xf32, #tpu.memory_space<vmem>>, vector<16xf32>,
        tpu.vector_store %arg8[%swap3A_270], %gather3A_269 {strides = array<i32>} : memref<4096xf32, #tpu.memory_space<vmem>>, vector<16xf32>,
        %mul3A_272 = arith.constant 16 : i32
        %mul3A_273 = arith.muli %scan3A_153, %mul3A_272 : i32
        %add3A_274 = arith.constant 11 : i32
        %add3A_275 = arith.addi %mul3A_273, %add3A_274 : i32
        %mul3A_276 = arith.constant 16 : i32
        %mul3A_277 = arith.muli %add3A_275, %mul3A_276 : i32
        %get3A_278 = arith.index_cast %mul3A_277 : i32 to index
        %get3A_279 = tpu.vector_load %arg6[%get3A_278] {strides = array<i32>} : memref<4096xi32, #tpu.memory_space<vmem>>, vector<16xi32>,
        %gather3A_280 = tpu.vector_load_idx %arg5[%get3A_279] : memref<100000xf32, #tpu.memory_space<vmem>>[vector<16xi32>], vector<16xf32>,
        %swap3A_281 = arith.index_cast %mul3A_277 : i32 to index
        %swap3A_282 = tpu.vector_load %arg8[%swap3A_281] {strides = array<i32>} : memref<4096xf32, #tpu.memory_space<vmem>>, vector<16xf32>,
        tpu.vector_store %arg8[%swap3A_281], %gather3A_280 {strides = array<i32>} : memref<4096xf32, #tpu.memory_space<vmem>>, vector<16xf32>,
        %mul3A_283 = arith.constant 16 : i32
        %mul3A_284 = arith.muli %scan3A_153, %mul3A_283 : i32
        %add3A_285 = arith.constant 12 : i32
        %add3A_286 = arith.addi %mul3A_284, %add3A_285 : i32
        %mul3A_287 = arith.constant 16 : i32
        %mul3A_288 = arith.muli %add3A_286, %mul3A_287 : i32
        %get3A_289 = arith.index_cast %mul3A_288 : i32 to index
        %get3A_290 = tpu.vector_load %arg6[%get3A_289] {strides = array<i32>} : memref<4096xi32, #tpu.memory_space<vmem>>, vector<16xi32>,
        %gather3A_291 = tpu.vector_load_idx %arg5[%get3A_290] : memref<100000xf32, #tpu.memory_space<vmem>>[vector<16xi32>], vector<16xf32>,
        %swap3A_292 = arith.index_cast %mul3A_288 : i32 to index
        %swap3A_293 = tpu.vector_load %arg8[%swap3A_292] {strides = array<i32>} : memref<4096xf32, #tpu.memory_space<vmem>>, vector<16xf32>,
        tpu.vector_store %arg8[%swap3A_292], %gather3A_291 {strides = array<i32>} : memref<4096xf32, #tpu.memory_space<vmem>>, vector<16xf32>,
        %mul3A_294 = arith.constant 16 : i32
        %mul3A_295 = arith.muli %scan3A_153, %mul3A_294 : i32
        %add3A_296 = arith.constant 13 : i32
        %add3A_297 = arith.addi %mul3A_295, %add3A_296 : i32
        %mul3A_298 = arith.constant 16 : i32
        %mul3A_299 = arith.muli %add3A_297, %mul3A_298 : i32
        %get3A_300 = arith.index_cast %mul3A_299 : i32 to index
        %get3A_301 = tpu.vector_load %arg6[%get3A_300] {strides = array<i32>} : memref<4096xi32, #tpu.memory_space<vmem>>, vector<16xi32>,
        %gather3A_302 = tpu.vector_load_idx %arg5[%get3A_301] : memref<100000xf32, #tpu.memory_space<vmem>>[vector<16xi32>], vector<16xf32>,
        %swap3A_303 = arith.index_cast %mul3A_299 : i32 to index
        %swap3A_304 = tpu.vector_load %arg8[%swap3A_303] {strides = array<i32>} : memref<4096xf32, #tpu.memory_space<vmem>>, vector<16xf32>,
        tpu.vector_store %arg8[%swap3A_303], %gather3A_302 {strides = array<i32>} : memref<4096xf32, #tpu.memory_space<vmem>>, vector<16xf32>,
        %mul3A_305 = arith.constant 16 : i32
        %mul3A_306 = arith.muli %scan3A_153, %mul3A_305 : i32
        %add3A_307 = arith.constant 14 : i32
        %add3A_308 = arith.addi %mul3A_306, %add3A_307 : i32
        %mul3A_309 = arith.constant 16 : i32
        %mul3A_310 = arith.muli %add3A_308, %mul3A_309 : i32
        %get3A_311 = arith.index_cast %mul3A_310 : i32 to index
        %get3A_312 = tpu.vector_load %arg6[%get3A_311] {strides = array<i32>} : memref<4096xi32, #tpu.memory_space<vmem>>, vector<16xi32>,
        %gather3A_313 = tpu.vector_load_idx %arg5[%get3A_312] : memref<100000xf32, #tpu.memory_space<vmem>>[vector<16xi32>], vector<16xf32>,
        %swap3A_314 = arith.index_cast %mul3A_310 : i32 to index
        %swap3A_315 = tpu.vector_load %arg8[%swap3A_314] {strides = array<i32>} : memref<4096xf32, #tpu.memory_space<vmem>>, vector<16xf32>,
        tpu.vector_store %arg8[%swap3A_314], %gather3A_313 {strides = array<i32>} : memref<4096xf32, #tpu.memory_space<vmem>>, vector<16xf32>,
        %mul3A_316 = arith.constant 16 : i32
        %mul3A_317 = arith.muli %scan3A_153, %mul3A_316 : i32
        %add3A_318 = arith.constant 15 : i32
        %add3A_319 = arith.addi %mul3A_317, %add3A_318 : i32
        %mul3A_320 = arith.constant 16 : i32
        %mul3A_321 = arith.muli %add3A_319, %mul3A_320 : i32
        %get3A_322 = arith.index_cast %mul3A_321 : i32 to index
        %get3A_323 = tpu.vector_load %arg6[%get3A_322] {strides = array<i32>} : memref<4096xi32, #tpu.memory_space<vmem>>, vector<16xi32>,
        %gather3A_324 = tpu.vector_load_idx %arg5[%get3A_323] : memref<100000xf32, #tpu.memory_space<vmem>>[vector<16xi32>], vector<16xf32>,
        %swap3A_325 = arith.index_cast %mul3A_321 : i32 to index
        %swap3A_326 = tpu.vector_load %arg8[%swap3A_325] {strides = array<i32>} : memref<4096xf32, #tpu.memory_space<vmem>>, vector<16xf32>,
        tpu.vector_store %arg8[%swap3A_325], %gather3A_324 {strides = array<i32>} : memref<4096xf32, #tpu.memory_space<vmem>>, vector<16xf32>,
      }
      %scan3A_101 = arith.constant 16 : i32
      %dma_start3A_102 = arith.constant 2 : i32
      %dma_start3A_103 = arith.constant 0 : i32
      %dma_start3A_104 = tpu.memref_slice %arg4[%dma_start3A_102, %scan3A_11, %add3A, %dma_start3A_103] : memref<4x26x32x4096xf32, #tpu.memory_space<hbm>> -> memref<1x1x1x4096xf32, #tpu.memory_space<hbm>>
      %dma_start3A_105 = tpu.memref_squeeze %dma_start3A_104 : memref<1x1x1x4096xf32, #tpu.memory_space<hbm>> -> memref<4096xf32, #tpu.memory_space<hbm>>
      %dma_start3A_106 = arith.constant 0 : i32
      %dma_start3A_107 = tpu.memref_slice %arg4[%dma_start3A_102, %scan3A_11, %add3A, %dma_start3A_106] : memref<4x26x32x4096xf32, #tpu.memory_space<hbm>> -> memref<1x1x1x4096xf32, #tpu.memory_space<hbm>>
      %dma_start3A_108 = tpu.memref_squeeze %dma_start3A_107 : memref<1x1x1x4096xf32, #tpu.memory_space<hbm>> -> memref<4096xf32, #tpu.memory_space<hbm>>
      tpu.enqueue_dma source(%arg8 : memref<4096xf32, #tpu.memory_space<vmem>>) target(%dma_start3A_108 : memref<4096xf32, #tpu.memory_space<hbm>>) target_semaphore(%arg12 : memref<!tpu.dma_semaphore, #tpu.memory_space<semaphore_mem>>)
      %dma_wait3A_109 = arith.constant 3 : i32
      %dma_wait3A_110 = arith.constant 0 : i32
      %dma_wait3A_111 = tpu.memref_slice %arg2[%scan3A_11, %dma_wait3A_109, %dma_wait3A_110] : memref<26x4x4096xi32, #tpu.memory_space<hbm>> -> memref<1x1x4096xi32, #tpu.memory_space<hbm>>
      %dma_wait3A_112 = tpu.memref_squeeze %dma_wait3A_111 : memref<1x1x4096xi32, #tpu.memory_space<hbm>> -> memref<4096xi32, #tpu.memory_space<hbm>>
      %dma_wait3A_113 = arith.constant 0 : i32
      %dma_wait3A_114 = tpu.memref_slice %arg2[%scan3A_11, %dma_wait3A_109, %dma_wait3A_113] : memref<26x4x4096xi32, #tpu.memory_space<hbm>> -> memref<1x1x4096xi32, #tpu.memory_space<hbm>>
      %dma_wait3A_115 = tpu.memref_squeeze %dma_wait3A_114 : memref<1x1x4096xi32, #tpu.memory_space<hbm>> -> memref<4096xi32, #tpu.memory_space<hbm>>
      tpu.wait_dma2 semaphore(%arg11 : memref<!tpu.dma_semaphore, #tpu.memory_space<semaphore_mem>>) src(%dma_wait3A_115 : memref<4096xi32, #tpu.memory_space<hbm>>) dst(%arg7 : memref<4096xi32, #tpu.memory_space<vmem>>)
      %dma_wait3A_116 = arith.constant 1 : i32
      %dma_wait3A_117 = arith.constant 0 : i32
      %dma_wait3A_118 = tpu.memref_slice %arg4[%dma_wait3A_116, %scan3A_11, %add3A, %dma_wait3A_117] : memref<4x26x32x4096xf32, #tpu.memory_space<hbm>> -> memref<1x1x1x4096xf32, #tpu.memory_space<hbm>>
      %dma_wait3A_119 = tpu.memref_squeeze %dma_wait3A_118 : memref<1x1x1x4096xf32, #tpu.memory_space<hbm>> -> memref<4096xf32, #tpu.memory_space<hbm>>
      %dma_wait3A_120 = arith.constant 0 : i32
      %dma_wait3A_121 = tpu.memref_slice %arg4[%dma_wait3A_116, %scan3A_11, %add3A, %dma_wait3A_120] : memref<4x26x32x4096xf32, #tpu.memory_space<hbm>> -> memref<1x1x1x4096xf32, #tpu.memory_space<hbm>>
      %dma_wait3A_122 = tpu.memref_squeeze %dma_wait3A_121 : memref<1x1x1x4096xf32, #tpu.memory_space<hbm>> -> memref<4096xf32, #tpu.memory_space<hbm>>
      tpu.wait_dma2 semaphore(%arg12 : memref<!tpu.dma_semaphore, #tpu.memory_space<semaphore_mem>>) src(%arg9 : memref<4096xf32, #tpu.memory_space<vmem>>) dst(%dma_wait3A_122 : memref<4096xf32, #tpu.memory_space<hbm>>)
      %scan3A_123 = arith.constant 0 : i32
      %scan3A_124 = arith.constant 16 : i32
      %scan3A_125 = arith.addi %scan3A_123, %scan3A_124 : i32
      %scan3A_126 = arith.constant 1 : i32
      scf.for %scan3A_153 = %scan3A_123 to %scan3A_125 step %scan3A_126  : i32 {
        %mul3A_154 = arith.constant 16 : i32
        %mul3A_155 = arith.muli %scan3A_153, %mul3A_154 : i32
        %add3A_156 = arith.constant 0 : i32
        %add3A_157 = arith.addi %mul3A_155, %add3A_156 : i32
        %mul3A_158 = arith.constant 16 : i32
        %mul3A_159 = arith.muli %add3A_157, %mul3A_158 : i32
        %get3A = arith.index_cast %mul3A_159 : i32 to index
        %get3A_160 = tpu.vector_load %arg7[%get3A] {strides = array<i32>} : memref<4096xi32, #tpu.memory_space<vmem>>, vector<16xi32>,
        %gather3A = tpu.vector_load_idx %arg5[%get3A_160] : memref<100000xf32, #tpu.memory_space<vmem>>[vector<16xi32>], vector<16xf32>,
        %swap3A = arith.index_cast %mul3A_159 : i32 to index
        %swap3A_161 = tpu.vector_load %arg9[%swap3A] {strides = array<i32>} : memref<4096xf32, #tpu.memory_space<vmem>>, vector<16xf32>,
        tpu.vector_store %arg9[%swap3A], %gather3A {strides = array<i32>} : memref<4096xf32, #tpu.memory_space<vmem>>, vector<16xf32>,
        %mul3A_162 = arith.constant 16 : i32
        %mul3A_163 = arith.muli %scan3A_153, %mul3A_162 : i32
        %add3A_164 = arith.constant 1 : i32
        %add3A_165 = arith.addi %mul3A_163, %add3A_164 : i32
        %mul3A_166 = arith.constant 16 : i32
        %mul3A_167 = arith.muli %add3A_165, %mul3A_166 : i32
        %get3A_168 = arith.index_cast %mul3A_167 : i32 to index
        %get3A_169 = tpu.vector_load %arg7[%get3A_168] {strides = array<i32>} : memref<4096xi32, #tpu.memory_space<vmem>>, vector<16xi32>,
        %gather3A_170 = tpu.vector_load_idx %arg5[%get3A_169] : memref<100000xf32, #tpu.memory_space<vmem>>[vector<16xi32>], vector<16xf32>,
        %swap3A_171 = arith.index_cast %mul3A_167 : i32 to index
        %swap3A_172 = tpu.vector_load %arg9[%swap3A_171] {strides = array<i32>} : memref<4096xf32, #tpu.memory_space<vmem>>, vector<16xf32>,
        tpu.vector_store %arg9[%swap3A_171], %gather3A_170 {strides = array<i32>} : memref<4096xf32, #tpu.memory_space<vmem>>, vector<16xf32>,
        %mul3A_173 = arith.constant 16 : i32
        %mul3A_174 = arith.muli %scan3A_153, %mul3A_173 : i32
        %add3A_175 = arith.constant 2 : i32
        %add3A_176 = arith.addi %mul3A_174, %add3A_175 : i32
        %mul3A_177 = arith.constant 16 : i32
        %mul3A_178 = arith.muli %add3A_176, %mul3A_177 : i32
        %get3A_179 = arith.index_cast %mul3A_178 : i32 to index
        %get3A_180 = tpu.vector_load %arg7[%get3A_179] {strides = array<i32>} : memref<4096xi32, #tpu.memory_space<vmem>>, vector<16xi32>,
        %gather3A_181 = tpu.vector_load_idx %arg5[%get3A_180] : memref<100000xf32, #tpu.memory_space<vmem>>[vector<16xi32>], vector<16xf32>,
        %swap3A_182 = arith.index_cast %mul3A_178 : i32 to index
        %swap3A_183 = tpu.vector_load %arg9[%swap3A_182] {strides = array<i32>} : memref<4096xf32, #tpu.memory_space<vmem>>, vector<16xf32>,
        tpu.vector_store %arg9[%swap3A_182], %gather3A_181 {strides = array<i32>} : memref<4096xf32, #tpu.memory_space<vmem>>, vector<16xf32>,
        %mul3A_184 = arith.constant 16 : i32
        %mul3A_185 = arith.muli %scan3A_153, %mul3A_184 : i32
        %add3A_186 = arith.constant 3 : i32
        %add3A_187 = arith.addi %mul3A_185, %add3A_186 : i32
        %mul3A_188 = arith.constant 16 : i32
        %mul3A_189 = arith.muli %add3A_187, %mul3A_188 : i32
        %get3A_190 = arith.index_cast %mul3A_189 : i32 to index
        %get3A_191 = tpu.vector_load %arg7[%get3A_190] {strides = array<i32>} : memref<4096xi32, #tpu.memory_space<vmem>>, vector<16xi32>,
        %gather3A_192 = tpu.vector_load_idx %arg5[%get3A_191] : memref<100000xf32, #tpu.memory_space<vmem>>[vector<16xi32>], vector<16xf32>,
        %swap3A_193 = arith.index_cast %mul3A_189 : i32 to index
        %swap3A_194 = tpu.vector_load %arg9[%swap3A_193] {strides = array<i32>} : memref<4096xf32, #tpu.memory_space<vmem>>, vector<16xf32>,
        tpu.vector_store %arg9[%swap3A_193], %gather3A_192 {strides = array<i32>} : memref<4096xf32, #tpu.memory_space<vmem>>, vector<16xf32>,
        %mul3A_195 = arith.constant 16 : i32
        %mul3A_196 = arith.muli %scan3A_153, %mul3A_195 : i32
        %add3A_197 = arith.constant 4 : i32
        %add3A_198 = arith.addi %mul3A_196, %add3A_197 : i32
        %mul3A_199 = arith.constant 16 : i32
        %mul3A_200 = arith.muli %add3A_198, %mul3A_199 : i32
        %get3A_201 = arith.index_cast %mul3A_200 : i32 to index
        %get3A_202 = tpu.vector_load %arg7[%get3A_201] {strides = array<i32>} : memref<4096xi32, #tpu.memory_space<vmem>>, vector<16xi32>,
        %gather3A_203 = tpu.vector_load_idx %arg5[%get3A_202] : memref<100000xf32, #tpu.memory_space<vmem>>[vector<16xi32>], vector<16xf32>,
        %swap3A_204 = arith.index_cast %mul3A_200 : i32 to index
        %swap3A_205 = tpu.vector_load %arg9[%swap3A_204] {strides = array<i32>} : memref<4096xf32, #tpu.memory_space<vmem>>, vector<16xf32>,
        tpu.vector_store %arg9[%swap3A_204], %gather3A_203 {strides = array<i32>} : memref<4096xf32, #tpu.memory_space<vmem>>, vector<16xf32>,
        %mul3A_206 = arith.constant 16 : i32
        %mul3A_207 = arith.muli %scan3A_153, %mul3A_206 : i32
        %add3A_208 = arith.constant 5 : i32
        %add3A_209 = arith.addi %mul3A_207, %add3A_208 : i32
        %mul3A_210 = arith.constant 16 : i32
        %mul3A_211 = arith.muli %add3A_209, %mul3A_210 : i32
        %get3A_212 = arith.index_cast %mul3A_211 : i32 to index
        %get3A_213 = tpu.vector_load %arg7[%get3A_212] {strides = array<i32>} : memref<4096xi32, #tpu.memory_space<vmem>>, vector<16xi32>,
        %gather3A_214 = tpu.vector_load_idx %arg5[%get3A_213] : memref<100000xf32, #tpu.memory_space<vmem>>[vector<16xi32>], vector<16xf32>,
        %swap3A_215 = arith.index_cast %mul3A_211 : i32 to index
        %swap3A_216 = tpu.vector_load %arg9[%swap3A_215] {strides = array<i32>} : memref<4096xf32, #tpu.memory_space<vmem>>, vector<16xf32>,
        tpu.vector_store %arg9[%swap3A_215], %gather3A_214 {strides = array<i32>} : memref<4096xf32, #tpu.memory_space<vmem>>, vector<16xf32>,
        %mul3A_217 = arith.constant 16 : i32
        %mul3A_218 = arith.muli %scan3A_153, %mul3A_217 : i32
        %add3A_219 = arith.constant 6 : i32
        %add3A_220 = arith.addi %mul3A_218, %add3A_219 : i32
        %mul3A_221 = arith.constant 16 : i32
        %mul3A_222 = arith.muli %add3A_220, %mul3A_221 : i32
        %get3A_223 = arith.index_cast %mul3A_222 : i32 to index
        %get3A_224 = tpu.vector_load %arg7[%get3A_223] {strides = array<i32>} : memref<4096xi32, #tpu.memory_space<vmem>>, vector<16xi32>,
        %gather3A_225 = tpu.vector_load_idx %arg5[%get3A_224] : memref<100000xf32, #tpu.memory_space<vmem>>[vector<16xi32>], vector<16xf32>,
        %swap3A_226 = arith.index_cast %mul3A_222 : i32 to index
        %swap3A_227 = tpu.vector_load %arg9[%swap3A_226] {strides = array<i32>} : memref<4096xf32, #tpu.memory_space<vmem>>, vector<16xf32>,
        tpu.vector_store %arg9[%swap3A_226], %gather3A_225 {strides = array<i32>} : memref<4096xf32, #tpu.memory_space<vmem>>, vector<16xf32>,
        %mul3A_228 = arith.constant 16 : i32
        %mul3A_229 = arith.muli %scan3A_153, %mul3A_228 : i32
        %add3A_230 = arith.constant 7 : i32
        %add3A_231 = arith.addi %mul3A_229, %add3A_230 : i32
        %mul3A_232 = arith.constant 16 : i32
        %mul3A_233 = arith.muli %add3A_231, %mul3A_232 : i32
        %get3A_234 = arith.index_cast %mul3A_233 : i32 to index
        %get3A_235 = tpu.vector_load %arg7[%get3A_234] {strides = array<i32>} : memref<4096xi32, #tpu.memory_space<vmem>>, vector<16xi32>,
        %gather3A_236 = tpu.vector_load_idx %arg5[%get3A_235] : memref<100000xf32, #tpu.memory_space<vmem>>[vector<16xi32>], vector<16xf32>,
        %swap3A_237 = arith.index_cast %mul3A_233 : i32 to index
        %swap3A_238 = tpu.vector_load %arg9[%swap3A_237] {strides = array<i32>} : memref<4096xf32, #tpu.memory_space<vmem>>, vector<16xf32>,
        tpu.vector_store %arg9[%swap3A_237], %gather3A_236 {strides = array<i32>} : memref<4096xf32, #tpu.memory_space<vmem>>, vector<16xf32>,
        %mul3A_239 = arith.constant 16 : i32
        %mul3A_240 = arith.muli %scan3A_153, %mul3A_239 : i32
        %add3A_241 = arith.constant 8 : i32
        %add3A_242 = arith.addi %mul3A_240, %add3A_241 : i32
        %mul3A_243 = arith.constant 16 : i32
        %mul3A_244 = arith.muli %add3A_242, %mul3A_243 : i32
        %get3A_245 = arith.index_cast %mul3A_244 : i32 to index
        %get3A_246 = tpu.vector_load %arg7[%get3A_245] {strides = array<i32>} : memref<4096xi32, #tpu.memory_space<vmem>>, vector<16xi32>,
        %gather3A_247 = tpu.vector_load_idx %arg5[%get3A_246] : memref<100000xf32, #tpu.memory_space<vmem>>[vector<16xi32>], vector<16xf32>,
        %swap3A_248 = arith.index_cast %mul3A_244 : i32 to index
        %swap3A_249 = tpu.vector_load %arg9[%swap3A_248] {strides = array<i32>} : memref<4096xf32, #tpu.memory_space<vmem>>, vector<16xf32>,
        tpu.vector_store %arg9[%swap3A_248], %gather3A_247 {strides = array<i32>} : memref<4096xf32, #tpu.memory_space<vmem>>, vector<16xf32>,
        %mul3A_250 = arith.constant 16 : i32
        %mul3A_251 = arith.muli %scan3A_153, %mul3A_250 : i32
        %add3A_252 = arith.constant 9 : i32
        %add3A_253 = arith.addi %mul3A_251, %add3A_252 : i32
        %mul3A_254 = arith.constant 16 : i32
        %mul3A_255 = arith.muli %add3A_253, %mul3A_254 : i32
        %get3A_256 = arith.index_cast %mul3A_255 : i32 to index
        %get3A_257 = tpu.vector_load %arg7[%get3A_256] {strides = array<i32>} : memref<4096xi32, #tpu.memory_space<vmem>>, vector<16xi32>,
        %gather3A_258 = tpu.vector_load_idx %arg5[%get3A_257] : memref<100000xf32, #tpu.memory_space<vmem>>[vector<16xi32>], vector<16xf32>,
        %swap3A_259 = arith.index_cast %mul3A_255 : i32 to index
        %swap3A_260 = tpu.vector_load %arg9[%swap3A_259] {strides = array<i32>} : memref<4096xf32, #tpu.memory_space<vmem>>, vector<16xf32>,
        tpu.vector_store %arg9[%swap3A_259], %gather3A_258 {strides = array<i32>} : memref<4096xf32, #tpu.memory_space<vmem>>, vector<16xf32>,
        %mul3A_261 = arith.constant 16 : i32
        %mul3A_262 = arith.muli %scan3A_153, %mul3A_261 : i32
        %add3A_263 = arith.constant 10 : i32
        %add3A_264 = arith.addi %mul3A_262, %add3A_263 : i32
        %mul3A_265 = arith.constant 16 : i32
        %mul3A_266 = arith.muli %add3A_264, %mul3A_265 : i32
        %get3A_267 = arith.index_cast %mul3A_266 : i32 to index
        %get3A_268 = tpu.vector_load %arg7[%get3A_267] {strides = array<i32>} : memref<4096xi32, #tpu.memory_space<vmem>>, vector<16xi32>,
        %gather3A_269 = tpu.vector_load_idx %arg5[%get3A_268] : memref<100000xf32, #tpu.memory_space<vmem>>[vector<16xi32>], vector<16xf32>,
        %swap3A_270 = arith.index_cast %mul3A_266 : i32 to index
        %swap3A_271 = tpu.vector_load %arg9[%swap3A_270] {strides = array<i32>} : memref<4096xf32, #tpu.memory_space<vmem>>, vector<16xf32>,
        tpu.vector_store %arg9[%swap3A_270], %gather3A_269 {strides = array<i32>} : memref<4096xf32, #tpu.memory_space<vmem>>, vector<16xf32>,
        %mul3A_272 = arith.constant 16 : i32
        %mul3A_273 = arith.muli %scan3A_153, %mul3A_272 : i32
        %add3A_274 = arith.constant 11 : i32
        %add3A_275 = arith.addi %mul3A_273, %add3A_274 : i32
        %mul3A_276 = arith.constant 16 : i32
        %mul3A_277 = arith.muli %add3A_275, %mul3A_276 : i32
        %get3A_278 = arith.index_cast %mul3A_277 : i32 to index
        %get3A_279 = tpu.vector_load %arg7[%get3A_278] {strides = array<i32>} : memref<4096xi32, #tpu.memory_space<vmem>>, vector<16xi32>,
        %gather3A_280 = tpu.vector_load_idx %arg5[%get3A_279] : memref<100000xf32, #tpu.memory_space<vmem>>[vector<16xi32>], vector<16xf32>,
        %swap3A_281 = arith.index_cast %mul3A_277 : i32 to index
        %swap3A_282 = tpu.vector_load %arg9[%swap3A_281] {strides = array<i32>} : memref<4096xf32, #tpu.memory_space<vmem>>, vector<16xf32>,
        tpu.vector_store %arg9[%swap3A_281], %gather3A_280 {strides = array<i32>} : memref<4096xf32, #tpu.memory_space<vmem>>, vector<16xf32>,
        %mul3A_283 = arith.constant 16 : i32
        %mul3A_284 = arith.muli %scan3A_153, %mul3A_283 : i32
        %add3A_285 = arith.constant 12 : i32
        %add3A_286 = arith.addi %mul3A_284, %add3A_285 : i32
        %mul3A_287 = arith.constant 16 : i32
        %mul3A_288 = arith.muli %add3A_286, %mul3A_287 : i32
        %get3A_289 = arith.index_cast %mul3A_288 : i32 to index
        %get3A_290 = tpu.vector_load %arg7[%get3A_289] {strides = array<i32>} : memref<4096xi32, #tpu.memory_space<vmem>>, vector<16xi32>,
        %gather3A_291 = tpu.vector_load_idx %arg5[%get3A_290] : memref<100000xf32, #tpu.memory_space<vmem>>[vector<16xi32>], vector<16xf32>,
        %swap3A_292 = arith.index_cast %mul3A_288 : i32 to index
        %swap3A_293 = tpu.vector_load %arg9[%swap3A_292] {strides = array<i32>} : memref<4096xf32, #tpu.memory_space<vmem>>, vector<16xf32>,
        tpu.vector_store %arg9[%swap3A_292], %gather3A_291 {strides = array<i32>} : memref<4096xf32, #tpu.memory_space<vmem>>, vector<16xf32>,
        %mul3A_294 = arith.constant 16 : i32
        %mul3A_295 = arith.muli %scan3A_153, %mul3A_294 : i32
        %add3A_296 = arith.constant 13 : i32
        %add3A_297 = arith.addi %mul3A_295, %add3A_296 : i32
        %mul3A_298 = arith.constant 16 : i32
        %mul3A_299 = arith.muli %add3A_297, %mul3A_298 : i32
        %get3A_300 = arith.index_cast %mul3A_299 : i32 to index
        %get3A_301 = tpu.vector_load %arg7[%get3A_300] {strides = array<i32>} : memref<4096xi32, #tpu.memory_space<vmem>>, vector<16xi32>,
        %gather3A_302 = tpu.vector_load_idx %arg5[%get3A_301] : memref<100000xf32, #tpu.memory_space<vmem>>[vector<16xi32>], vector<16xf32>,
        %swap3A_303 = arith.index_cast %mul3A_299 : i32 to index
        %swap3A_304 = tpu.vector_load %arg9[%swap3A_303] {strides = array<i32>} : memref<4096xf32, #tpu.memory_space<vmem>>, vector<16xf32>,
        tpu.vector_store %arg9[%swap3A_303], %gather3A_302 {strides = array<i32>} : memref<4096xf32, #tpu.memory_space<vmem>>, vector<16xf32>,
        %mul3A_305 = arith.constant 16 : i32
        %mul3A_306 = arith.muli %scan3A_153, %mul3A_305 : i32
        %add3A_307 = arith.constant 14 : i32
        %add3A_308 = arith.addi %mul3A_306, %add3A_307 : i32
        %mul3A_309 = arith.constant 16 : i32
        %mul3A_310 = arith.muli %add3A_308, %mul3A_309 : i32
        %get3A_311 = arith.index_cast %mul3A_310 : i32 to index
        %get3A_312 = tpu.vector_load %arg7[%get3A_311] {strides = array<i32>} : memref<4096xi32, #tpu.memory_space<vmem>>, vector<16xi32>,
        %gather3A_313 = tpu.vector_load_idx %arg5[%get3A_312] : memref<100000xf32, #tpu.memory_space<vmem>>[vector<16xi32>], vector<16xf32>,
        %swap3A_314 = arith.index_cast %mul3A_310 : i32 to index
        %swap3A_315 = tpu.vector_load %arg9[%swap3A_314] {strides = array<i32>} : memref<4096xf32, #tpu.memory_space<vmem>>, vector<16xf32>,
        tpu.vector_store %arg9[%swap3A_314], %gather3A_313 {strides = array<i32>} : memref<4096xf32, #tpu.memory_space<vmem>>, vector<16xf32>,
        %mul3A_316 = arith.constant 16 : i32
        %mul3A_317 = arith.muli %scan3A_153, %mul3A_316 : i32
        %add3A_318 = arith.constant 15 : i32
        %add3A_319 = arith.addi %mul3A_317, %add3A_318 : i32
        %mul3A_320 = arith.constant 16 : i32
        %mul3A_321 = arith.muli %add3A_319, %mul3A_320 : i32
        %get3A_322 = arith.index_cast %mul3A_321 : i32 to index
        %get3A_323 = tpu.vector_load %arg7[%get3A_322] {strides = array<i32>} : memref<4096xi32, #tpu.memory_space<vmem>>, vector<16xi32>,
        %gather3A_324 = tpu.vector_load_idx %arg5[%get3A_323] : memref<100000xf32, #tpu.memory_space<vmem>>[vector<16xi32>], vector<16xf32>,
        %swap3A_325 = arith.index_cast %mul3A_321 : i32 to index
        %swap3A_326 = tpu.vector_load %arg9[%swap3A_325] {strides = array<i32>} : memref<4096xf32, #tpu.memory_space<vmem>>, vector<16xf32>,
        tpu.vector_store %arg9[%swap3A_325], %gather3A_324 {strides = array<i32>} : memref<4096xf32, #tpu.memory_space<vmem>>, vector<16xf32>,
      }
      %scan3A_127 = arith.constant 16 : i32
      %dma_start3A_128 = arith.constant 3 : i32
      %dma_start3A_129 = arith.constant 0 : i32
      %dma_start3A_130 = tpu.memref_slice %arg4[%dma_start3A_128, %scan3A_11, %add3A, %dma_start3A_129] : memref<4x26x32x4096xf32, #tpu.memory_space<hbm>> -> memref<1x1x1x4096xf32, #tpu.memory_space<hbm>>
      %dma_start3A_131 = tpu.memref_squeeze %dma_start3A_130 : memref<1x1x1x4096xf32, #tpu.memory_space<hbm>> -> memref<4096xf32, #tpu.memory_space<hbm>>
      %dma_start3A_132 = arith.constant 0 : i32
      %dma_start3A_133 = tpu.memref_slice %arg4[%dma_start3A_128, %scan3A_11, %add3A, %dma_start3A_132] : memref<4x26x32x4096xf32, #tpu.memory_space<hbm>> -> memref<1x1x1x4096xf32, #tpu.memory_space<hbm>>
      %dma_start3A_134 = tpu.memref_squeeze %dma_start3A_133 : memref<1x1x1x4096xf32, #tpu.memory_space<hbm>> -> memref<4096xf32, #tpu.memory_space<hbm>>
      tpu.enqueue_dma source(%arg9 : memref<4096xf32, #tpu.memory_space<vmem>>) target(%dma_start3A_134 : memref<4096xf32, #tpu.memory_space<hbm>>) target_semaphore(%arg12 : memref<!tpu.dma_semaphore, #tpu.memory_space<semaphore_mem>>)
      %add3A_135 = arith.constant 1 : i32
      %add3A_136 = arith.addi %scan3A_11, %add3A_135 : i32
      %lt3A = arith.constant 26 : i32
      %lt3A_137 = arith.cmpi slt, %add3A_136, %lt3A : i32
      %convert_element_type3A = arith.extui %lt3A_137 : i1 to i32
      %cond3A = arith.constant 0 : i32
      %cond3A_138 = arith.cmpi ne, %convert_element_type3A, %cond3A : i32
      scf.if %cond3A_138 {
        %add3A_153 = arith.constant 1 : i32
        %add3A_154 = arith.addi %scan3A_11, %add3A_153 : i32
        %dma_start3A_155 = arith.constant 0 : i32
        %dma_start3A_156 = tpu.memref_slice %arg3[%add3A_154, %add3A, %dma_start3A_155] : memref<26x32x100000xf32, #tpu.memory_space<hbm>> -> memref<1x1x100000xf32, #tpu.memory_space<hbm>>
        %dma_start3A_157 = tpu.memref_squeeze %dma_start3A_156 : memref<1x1x100000xf32, #tpu.memory_space<hbm>> -> memref<100000xf32, #tpu.memory_space<hbm>>
        %dma_start3A_158 = arith.constant 0 : i32
        %dma_start3A_159 = tpu.memref_slice %arg3[%add3A_154, %add3A, %dma_start3A_158] : memref<26x32x100000xf32, #tpu.memory_space<hbm>> -> memref<1x1x100000xf32, #tpu.memory_space<hbm>>
        %dma_start3A_160 = tpu.memref_squeeze %dma_start3A_159 : memref<1x1x100000xf32, #tpu.memory_space<hbm>> -> memref<100000xf32, #tpu.memory_space<hbm>>
        tpu.enqueue_dma source(%dma_start3A_160 : memref<100000xf32, #tpu.memory_space<hbm>>) target(%arg5 : memref<100000xf32, #tpu.memory_space<vmem>>) target_semaphore(%arg10 : memref<!tpu.dma_semaphore, #tpu.memory_space<semaphore_mem>>)
      } else {
      }
      %dma_wait3A_139 = arith.constant 2 : i32
      %dma_wait3A_140 = arith.constant 0 : i32
      %dma_wait3A_141 = tpu.memref_slice %arg4[%dma_wait3A_139, %scan3A_11, %add3A, %dma_wait3A_140] : memref<4x26x32x4096xf32, #tpu.memory_space<hbm>> -> memref<1x1x1x4096xf32, #tpu.memory_space<hbm>>
      %dma_wait3A_142 = tpu.memref_squeeze %dma_wait3A_141 : memref<1x1x1x4096xf32, #tpu.memory_space<hbm>> -> memref<4096xf32, #tpu.memory_space<hbm>>
      %dma_wait3A_143 = arith.constant 0 : i32
      %dma_wait3A_144 = tpu.memref_slice %arg4[%dma_wait3A_139, %scan3A_11, %add3A, %dma_wait3A_143] : memref<4x26x32x4096xf32, #tpu.memory_space<hbm>> -> memref<1x1x1x4096xf32, #tpu.memory_space<hbm>>
      %dma_wait3A_145 = tpu.memref_squeeze %dma_wait3A_144 : memref<1x1x1x4096xf32, #tpu.memory_space<hbm>> -> memref<4096xf32, #tpu.memory_space<hbm>>
      tpu.wait_dma2 semaphore(%arg12 : memref<!tpu.dma_semaphore, #tpu.memory_space<semaphore_mem>>) src(%arg8 : memref<4096xf32, #tpu.memory_space<vmem>>) dst(%dma_wait3A_145 : memref<4096xf32, #tpu.memory_space<hbm>>)
      %dma_wait3A_146 = arith.constant 3 : i32
      %dma_wait3A_147 = arith.constant 0 : i32
      %dma_wait3A_148 = tpu.memref_slice %arg4[%dma_wait3A_146, %scan3A_11, %add3A, %dma_wait3A_147] : memref<4x26x32x4096xf32, #tpu.memory_space<hbm>> -> memref<1x1x1x4096xf32, #tpu.memory_space<hbm>>
      %dma_wait3A_149 = tpu.memref_squeeze %dma_wait3A_148 : memref<1x1x1x4096xf32, #tpu.memory_space<hbm>> -> memref<4096xf32, #tpu.memory_space<hbm>>
      %dma_wait3A_150 = arith.constant 0 : i32
      %dma_wait3A_151 = tpu.memref_slice %arg4[%dma_wait3A_146, %scan3A_11, %add3A, %dma_wait3A_150] : memref<4x26x32x4096xf32, #tpu.memory_space<hbm>> -> memref<1x1x1x4096xf32, #tpu.memory_space<hbm>>
      %dma_wait3A_152 = tpu.memref_squeeze %dma_wait3A_151 : memref<1x1x1x4096xf32, #tpu.memory_space<hbm>> -> memref<4096xf32, #tpu.memory_space<hbm>>
      tpu.wait_dma2 semaphore(%arg12 : memref<!tpu.dma_semaphore, #tpu.memory_space<semaphore_mem>>) src(%arg9 : memref<4096xf32, #tpu.memory_space<vmem>>) dst(%dma_wait3A_152 : memref<4096xf32, #tpu.memory_space<hbm>>)
    }
    %scan3A_10 = arith.constant 26 : i32
    return
  }
}

</mosaic_0001>

<sc_bundles>
// kernel: _sc_gather.3.cloned.1.call-start
scs
__scs_entry_jumppad:
0x0: {  	(pc) =	sbr.rel $0x88, $3  }
0x1: {  	(tag) =	ssettag $0x0;
	lr =	simm.s32 $0x1  }
0x2: {  	[smem:$0x3F9F] =	sst lr;
	_ =	strace $0xD0000000  }
0x3: {  	_ = 	snop  }
0x4: {  	_ = 	snop  }
0x5: {  	_ = 	snop  }
0x6: {  	_ = 	snop  }
0x7: {  	_ = 	snop  }
__scs_overlays_trampoline_lowered:
0x8: {  	[smem:$0x3FAE] =	sst s0  }
0x9: {  	[smem:$0x3FAF] =	sst s1  }
0xa: {  	[smem:$0x3FB0] =	sst s2  }
0xb: {  	[smem:$0x3FB1] =	sst s3  }
0xc: {  	[smem:$0x3FB2] =	sst s4  }
0xd: {  	[smem:$0x3FB3] =	sst s5  }
0xe: {  	[smem:$0x3FB4] =	sst s6  }
0xf: {  	[smem:$0x3FB5] =	sst s7  }
0x10: {  	[smem:$0x3FB6] =	sst s8  }
0x11: {  	[smem:$0x3FB7] =	sst s9;
	s0 =	simm.s32 @!p0 $0x0  }
0x12: {  	s1 =	sld [smem:$0x3F9D];
	s0 =	simm.s32 @p0 $0x1  }
0x13: {  	[smem:$0x3FB8] =	sst s0;
	s0 =	simm.s32 @!p1 $0x0  }
0x14: {  	s2 =	sld [smem:$0x3F9C];
	s0 =	simm.s32 @p1 $0x1  }
0x15: {  	[smem:$0x3FB9] =	sst s0;
	s0 =	simm.s32 @!p2 $0x0  }
0x16: {  	s3 =	sld [smem:$0x3FDB];
	s0 =	simm.s32 @p2 $0x1  }
0x17: {  	s4 =	simm.s32 $0x1BF5;
	[smem:$0x3FBB] =	sst s0  }
0x18: {  	s0 =	sld [smem:$0x3F9E];
	_ =	swait.ge [sflag:s4], $0x0  }
0x19: {  	s7 =	sld [smem:$0x3F9F]  }
0x1a: {  	s8 =	sadd.s32 $0xFFFFE003, lr  }
0x1b: {  	s9 =	sadd.s32 $0xFFFFFEF7, lr;
	s5 =	simm.s32 $0xFFFFFFFF;
	p2 =	slt.u32 s8, $0xFFFFF086  }
0x1c: {  	p1 =	slt.u32 s9, $0xF7A;
	s5 =	simm.s32 @!p2 $0x0  }
0x1d: {  	s5 =	simm.s32 @p1 $0x1;
	p0 =	seq.s32 s7, s2  }
0x1e: {  	s7 =	smul.u32 @!p0 $0xF7A, s2;
	p2 =	seq.s32 @!p0 s5, $0x0  }
0x1f: {  	s9 =	smul.u32 $0xF7A, s1;
	s8 =	simm.s32 @!p0 $0x1BF5;
	p2 =	por !p2, p0  }
0x20: {  	[sflag:s8] =	ssyncset.s32 @!p0 $0xFFFFF086;
	s6 =	sadd.s32 @!p0 s3, s7;
	s7 =	simm.s32 @!p0 $0x108  }
0x21: {  	s3 =	sadd.s32 s3, s9;
	s6 =	sadd.s32 @!p0 $0x88, s6;
	s7 =	simm.s32 @p2 $0x1082  }
0x22: {  	[simem:s7], [sflag:s8] =	dma.local @!p0 [hbm:s6], $0xF7A  }
0x23: {  	s9 =	sor.u32 $0xD0000000, s2;
	s6 =	simm.s32 $0x108;
	_ =	swait.ge @!p0 [sflag:s8], $0x0  }
0x24: {  	s3 =	sadd.s32 $0x88, s3;
	s6 =	simm.s32 @!p1 $0x1082;
	[sflag:s4] =	ssyncset.s32 $0xFFFFF086  }
0x25: {  	[simem:s6], [sflag:s4] =	dma.local [hbm:s3], $0xF7A  }
0x26: {  	[smem:$0x3F9F] =	sst s1;
	(tag) =	ssettag s2;
	_ =	strace s9  }
0x27: {  	s1 =	sld [smem:$0x3FAF]  }
0x28: {  	s2 =	sld [smem:$0x3FB0]  }
0x29: {  	s4 =	sld [smem:$0x3FB2]  }
0x2a: {  	p0 =	seq.s32 s5, $0x0;
	s5 =	sld [smem:$0x3FB3]  }
0x2b: {  	s6 =	sld [smem:$0x3FB4]  }
0x2c: {  	s7 =	sld [smem:$0x3FB5]  }
0x2d: {  	s3 =	simm.s32 $0x108;
	s8 =	sld [smem:$0x3FB6]  }
0x2e: {  	s3 =	simm.s32 @!p0 $0x1082;
	s9 =	sld [smem:$0x3FB7]  }
0x2f: {  	lr =	sadd.s32 s0, s3;
	s0 =	sld [smem:$0x3FAE]  }
0x30: {  	s3 =	sld [smem:$0x3FB1]  }
0x31: {  	[smem:$0x3FBA] =	sst s10  }
0x32: {  	s10 =	sld [smem:$0x3FB8];
	_ =	sdelay $0x3  }
0x33: {  	p0 =	seq.s32 s10, $0x1;
	s10 =	sld [smem:$0x3FBA];
	_ =	sdelay $0x3  }
0x34: {  	[smem:$0x3FBA] =	sst s10  }
0x35: {  	s10 =	sld [smem:$0x3FB9];
	_ =	sdelay $0x3  }
0x36: {  	p1 =	seq.s32 s10, $0x1;
	s10 =	sld [smem:$0x3FBA];
	_ =	sdelay $0x3  }
0x37: {  	[smem:$0x3FBA] =	sst s10  }
0x38: {  	s10 =	sld [smem:$0x3FBB]  }
0x39: {  	_ = 	snop;
	(pc) =	sbr.ind lr, $3  }
0x3a: {  	_ = 	snop  }
0x3b: {  	_ = 	snop  }
0x3c: {  	p2 =	seq.s32 s10, $0x1;
	s10 =	sld [smem:$0x3FBA]  }
0x3d: {  	_ =	shalt  }
0x3e: {  	_ =	shalt  }
0x3f: {  	_ =	shalt  }
0x40: {  	_ =	shalt  }
0x41: {  	_ =	shalt  }
0x42: {  	_ =	shalt  }
0x43: {  	_ =	shalt  }
0x44: {  	_ =	shalt  }
0x45: {  	_ =	shalt  }
0x46: {  	_ =	shalt  }
0x47: {  	_ =	shalt  }
0x48: {  	_ =	shalt  }
0x49: {  	_ =	shalt  }
0x4a: {  	_ =	shalt  }
0x4b: {  	_ =	shalt  }
0x4c: {  	_ =	shalt  }
0x4d: {  	_ =	shalt  }
0x4e: {  	_ =	shalt  }
0x4f: {  	_ =	shalt  }
0x50: {  	_ =	shalt  }
0x51: {  	_ =	shalt  }
0x52: {  	_ =	shalt  }
0x53: {  	_ =	shalt  }
0x54: {  	_ =	shalt  }
0x55: {  	_ =	shalt  }
0x56: {  	_ =	shalt  }
0x57: {  	_ =	shalt  }
0x58: {  	_ =	shalt  }
0x59: {  	_ =	shalt  }
0x5a: {  	_ =	shalt  }
0x5b: {  	_ =	shalt  }
0x5c: {  	_ =	shalt  }
0x5d: {  	_ =	shalt  }
0x5e: {  	_ =	shalt  }
0x5f: {  	_ =	shalt  }
0x60: {  	_ =	shalt  }
0x61: {  	_ =	shalt  }
0x62: {  	_ =	shalt  }
0x63: {  	_ =	shalt  }
0x64: {  	_ =	shalt  }
0x65: {  	_ =	shalt  }
0x66: {  	_ =	shalt  }
0x67: {  	_ =	shalt  }
0x68: {  	_ =	shalt  }
0x69: {  	_ =	shalt  }
0x6a: {  	_ =	shalt  }
0x6b: {  	_ =	shalt  }
0x6c: {  	_ =	shalt  }
0x6d: {  	_ =	shalt  }
0x6e: {  	_ =	shalt  }
0x6f: {  	_ =	shalt  }
0x70: {  	_ =	shalt  }
0x71: {  	_ =	shalt  }
0x72: {  	_ =	shalt  }
0x73: {  	_ =	shalt  }
0x74: {  	_ =	shalt  }
0x75: {  	_ =	shalt  }
0x76: {  	_ =	shalt  }
0x77: {  	_ =	shalt  }
0x78: {  	_ =	shalt  }
0x79: {  	_ =	shalt  }
0x7a: {  	_ =	shalt  }
0x7b: {  	_ =	shalt  }
0x7c: {  	_ =	shalt  }
0x7d: {  	_ =	shalt  }
0x7e: {  	_ =	shalt  }
0x7f: {  	_ =	shalt  }
0x80: {  	_ =	shalt  }
0x81: {  	_ =	shalt  }
0x82: {  	_ =	shalt  }
0x83: {  	_ =	shalt  }
0x84: {  	_ =	shalt  }
0x85: {  	_ =	shalt  }
0x86: {  	_ =	shalt  }
0x87: {  	_ =	shalt  }
.Lfunc_end0:
.L_simem_size_0:
called_computation_lowered:
.L_overlay_start_0:
0x88: {  	s2 =	sld [smem:$0x3FD9]  }
0x89: {  	s3 =	sld [smem:$0x3FFE];
	_ =	sdelay $0x1  }
0x8a: {  	s1 =	srdreg.scid  }
0x8b: {  	s0 =	sand.u32 $0x1, s1  }
0x8c: {  	s18 =	sshll.u32 s0, $0xA;
	s2 =	sadd.s32 s3, s2  }
0x8d: {  	s2 =	sadd.s32 s2, s18  }
0x8e: {  	[smem:$0x3FC6] =	sst s2  }
0x8f: {  	_ = 	snop  }
0x90: {  	s2 =	sld [smem:$0x3FC9]  }
0x91: {  	s19 =	sld [smem:$0x3FC8]  }
0x92: {  	s4 =	sld [smem:$0x3FD0];
	(tm) =	ssettm $0x1  }
0x93: {  	s5 =	sld [smem:$0x3FFB];
	_ =	sdelay $0x3  }
0x94: {  	_ =	strace s5  }
0x95: {  	s5 =	sld [smem:$0x3FFC];
	_ =	sdelay $0x3  }
0x96: {  	_ =	strace s5  }
0x97: {  	s5 =	sld [smem:$0x3FFD];
	_ =	sdelay $0x3  }
0x98: {  	_ =	strace s5  }
0x99: {  	_ =	strace $0x8FFFFFFF  }
0x9a: {  	s20 =	sld [smem:$0x3FDB];
	_ =	sdelay $0x1  }
0x9b: {  	s6 =	simm.s32 $_scs_section_size  }
0x9c: {  	s7 =	simm.s32 $_size__tile_overlayer_lowered;
	s8 =	simm.s32 $_tile_overlayer_lowered  }
0x9d: {  	s23 =	simm.s32 $0x1BFF;
	s22 =	sshll.u32 s8, $0x1;
	s5 =	sadd.s32 s6, s20  }
0x9e: {  	s9 =	simm.s32 $0x0;
	s21 =	sshll.u32 s7, $0x1;
	s7 =	sadd.s32 s22, s5  }
0x9f: {  	[timem:s9], [sflag:s23] =	dma.local [hbm:s7], s21  }
0xa0: {  	_ =	swait.ge [sflag:s23], s21  }
0xa1: {  	s6 =	ssub.s32 $0x0, s21;
	[sflag:s23] =	ssyncset.done $0x0  }
0xa2: {  	[sflag:s23] =	ssyncadd.s32 s6;
	_ =	sdelay $0x1  }
0xa3: {  	s24 =	simm.s32 $0x1B8B  }
0xa4: {  	_ =	swait.ge [sflag:s24], $0x1  }
0xa5: {  	[sflag:s24] =	ssyncset.done $0x0  }
0xa6: {  	s25 =	simm.s32 $0x1B8E;
	[sflag:s24] =	ssyncadd.s32 $0xFFFFFFFF  }
0xa7: {  	s26 =	simm.s32 $execute0_lowered;
	[smem:$0x3FD2] =	sst s25  }
0xa8: {  	s6 =	sshll.u32 s26, $0x1;
	_ =	strace $0x80000046;
	[dreg:$0x1] =	wrdreg $0xFFFFFFFF  }
0xa9: {  	s28 =	simm.s32 $_size_execute0_lowered;
	s5 =	sadd.s32 s5, s6;
	[dreg:$0x0] =	wrdreg $0x0  }
0xaa: {  	s6 =	sshll.u32 s28, $0x1;
	[dreg:$0x2] =	wrdreg s5  }
0xab: {  	[dreg:$0x3] =	wrdreg s6  }
0xac: {  	[dreg:$0x4] =	wrdreg $0xC0  }
0xad: {  	_ =	task [dreg:s9], $0x5FFFF  }
0xae: {  	[dreg:$0x1] =	wrdreg $0xFFFFFFFF  }
0xaf: {  	[dreg:$0x0] =	wrdreg $0x60  }
0xb0: {  	[dreg:$0x2] =	wrdreg s2  }
0xb1: {  	[dreg:$0x3] =	wrdreg s19  }
0xb2: {  	[dreg:$0x4] =	wrdreg s4  }
0xb3: {  	[dreg:$0x5] =	wrdreg $0x9  }
0xb4: {  	_ =	task.clear_ibuf [dreg:s9], $0x6FFFF;
	_ =	strace $0x90000046  }
0xb5: {  	s29 =	simm.s32 $0x9;
	_ =	strace $0x80000048  }
0xb6: {  	_ =	swait.ge [sflag:s29], $0x1  }
0xb7: {  	[sflag:s29] =	ssyncadd.s32 $0xFFFFFFFF  }
0xb8: {  	_ =	strace $0x90000048  }
0xb9: {  	_ =	sfence  }
0xba: {  	s30 =	sld [smem:$0x0];
	_ =	sdelay $0x2  }
0xbb: {  	s31 =	sshll.u32 s1, $0xD;
	s1 =	sshrl.u32 s1, $0x2  }
0xbc: {  	s3 =	sand.u32 $0x4000, s31;
	s1 =	sadd.s32 s1, s30  }
0xbd: {  	s0 =	sor.u32 s3, s0;
	s1 =	sshll.u32 s1, $0x11  }
0xbe: {  	s0 =	sor.u32 s1, s0  }
0xbf: {  	s0 =	sadd.s32 $0x8F2B, s0  }
0xc0: {  	[sflag:s0] =	ssyncadd.remote.s32 $0x1  }
0xc1: {  	_ =	sfence.sel $0xFFFF  }
0xc2: {  	[dreg:$0x0] =	wrdreg $0xFFFFFFFF;
	(pc) =	sbr.abs _section_cstart, $3  }
0xc3: {  	[dreg:$0x1] =	wrdreg $0xFFFFFFFF  }
0xc4: {  	_ =	task.clear_ibuf [dreg:s9], $0x2FFFF;
	_ =	strace $0x9FFFFFFF  }
0xc5: {  	(tm) =	ssettm $0x7FFFFFFF  }
tec
execute0_lowered:
.L_overlay_start_1:
0x0: {  	(tag) =	ssettag $0x1  }
0x1: {  	s1 =	rddreg [dreg:$0x0]  }
0x2: {  	s2 =	rddreg [dreg:$0x1]  }
0x3: {  	s4 =	rddreg [dreg:$0x2];
	s5 =	simm.s32 $0x0;
	s0 =	srdreg.scid  }
0x4: {  	s6 =	stileid.u32;
	s16 =	simm.s32 $0x80;
	s17 =	simm.s32 $0x400  }
0x5: {  	s18 =	simm.s32 $0x200;
	s19 =	simm.s32 $0x18700;
	s20 =	simm.s32 $0x1  }
0x6: {  	s21 =	simm.s32 $0x2;
	s22 =	simm.s32 $0x19700;
	s23 =	simm.s32 $0x1A700  }
0x7: {  	s24 =	simm.s32 $0x1B700;
	s25 =	simm.s32 $0x3;
	s26 =	simm.s32 $0x0  }
0x8: {  	s0 =	sand.u32 $0x1, s0;
	s3 =	sshrl.u32 s6, $0x2;
	s6 =	sshll.u32 s6, $0x8  }
0x9: {  	[smem:$0x7FF] =	sst s5;
	s10 =	sadd.s32 $0x20, s1;
	s12 =	sadd.s32 $0x30, s1  }
0xa: {  	s7 =	smul.u32 $0xC3800, s3;
	s8 =	sshll.u32 s0, $0x7;
	s6 =	sand.u32 $0x300, s6  }
0xb: {  	_ =	strace $0x80000047;
	s0 =	ssub.s32 $0x2, s0;
	s8 =	sor.u32 s8, s6  }
0xc: {  	s3 =	sshll.u32 s3, $0xF;
	s31 =	sshrl.u32 s0, $0x1;
	s6 =	sor.u32 s7, s8  }
0xd: {  	s0 =	ssub.s32 s0, s31;
	s8 =	sor.u32 s3, s8;
	s9 =	sshrl.u32 s6, $0x3  }
0xe: {  	s11 =	sor.u32 $0x340000, s8;
	s13 =	sor.u32 $0x680000, s8;
	s14 =	sor.u32 $0x9C0000, s8  }
0xf: {  	s15 =	smax.u32 s0, $0x1;
	s7 =	sadd.s32 s2, s9;
	s9 =	sadd.s32 $0x10, s1  }
.LBB2_1:
0x10: {  	[tilespmem:s5], [sflag:$0x1] =	stream.strided.gather [hbm4b:s7+s16], $0x18700, s17, s16, $0x38;
	[tilespmem:$0x1C700] =	vst v63  }
0x11: {  	s28 =	simm.s32 $0x0  }
.LBB2_2:
0x12: {  	s30 =	sshll.u32 s28, $0xB  }
0x13: {  	s0 =	sadd.s32 s1, s30  }
0x14: {  	[tilespmem:s19], [sflag:$0x2] =	stream.strided.gather [hbm4b:s0+s16], $0x1000, s18, s16, $0x38;
	[tilespmem:$0x1C700] =	vst v63  }
0x15: {  	_ =	swait.ge [sflag:s20], $0x18700  }
0x16: {  	[sflag:s20] =	ssyncset.done $0x0  }
0x17: {  	[sflag:s20] =	ssyncadd.s32 $0xFFFE7900  }
0x18: {  	_ =	swait.ge [sflag:s21], $0x1000  }
0x19: {  	[sflag:s21] =	ssyncset.done $0x0  }
0x1a: {  	s29 =	simm.s32 $0x0;
	s3 =	sadd.s32 s30, s9;
	[sflag:s21] =	ssyncadd.s32 $0xFFFFF000  }
0x1b: {  	[tilespmem:s22], [sflag:$0x2] =	stream.strided.gather [hbm4b:s3+s16], $0x1000, s18, s16, $0x38;
	[tilespmem:$0x1C700] =	vst v63  }
0x1c: {  	v0 =	vld [tilespmem:s29+$0x18700];
	_ =	sdelay $0x5  }
0x1d: {  	v1 =	vld [tilespmem:s29+$0x18710];
	_ =	sdelay $0x1  }
0x1e: {  	v0 =	vld.idx.msk [tilespmem:v0+s5+$0x0], $0xffff;
	_ =	sdelay $0x4  }
0x1f: {  	[tilespmem:s29+$0x1A700] =	vst v0;
	v0 =	vld [tilespmem:s29+$0x18720]  }
0x20: {  	v1 =	vld.idx.msk [tilespmem:v1+s5+$0x0], $0xffff;
	_ =	sdelay $0x4  }
0x21: {  	[tilespmem:s29+$0x1A710] =	vst v1;
	v1 =	vld [tilespmem:s29+$0x18730];
	_ =	sdelay $0x1  }
0x22: {  	v0 =	vld.idx.msk [tilespmem:v0+s5+$0x0], $0xffff;
	_ =	sdelay $0x4  }
0x23: {  	[tilespmem:s29+$0x1A720] =	vst v0;
	v0 =	vld [tilespmem:s29+$0x18740]  }
0x24: {  	v1 =	vld.idx.msk [tilespmem:v1+s5+$0x0], $0xffff;
	_ =	sdelay $0x4  }
0x25: {  	[tilespmem:s29+$0x1A730] =	vst v1;
	v1 =	vld [tilespmem:s29+$0x18750];
	_ =	sdelay $0x1  }
0x26: {  	v0 =	vld.idx.msk [tilespmem:v0+s5+$0x0], $0xffff;
	_ =	sdelay $0x4  }
0x27: {  	[tilespmem:s29+$0x1A740] =	vst v0;
	v0 =	vld [tilespmem:s29+$0x18760]  }
0x28: {  	v1 =	vld.idx.msk [tilespmem:v1+s5+$0x0], $0xffff;
	_ =	sdelay $0x4  }
0x29: {  	[tilespmem:s29+$0x1A750] =	vst v1;
	v1 =	vld [tilespmem:s29+$0x18770];
	_ =	sdelay $0x1  }
0x2a: {  	v0 =	vld.idx.msk [tilespmem:v0+s5+$0x0], $0xffff;
	_ =	sdelay $0x4  }
0x2b: {  	[tilespmem:s29+$0x1A760] =	vst v0;
	v0 =	vld [tilespmem:s29+$0x18780]  }
0x2c: {  	v1 =	vld.idx.msk [tilespmem:v1+s5+$0x0], $0xffff;
	_ =	sdelay $0x4  }
0x2d: {  	[tilespmem:s29+$0x1A770] =	vst v1;
	v1 =	vld [tilespmem:s29+$0x18790];
	_ =	sdelay $0x1  }
0x2e: {  	v0 =	vld.idx.msk [tilespmem:v0+s5+$0x0], $0xffff;
	_ =	sdelay $0x4  }
0x2f: {  	[tilespmem:s29+$0x1A780] =	vst v0;
	v0 =	vld [tilespmem:s29+$0x187A0]  }
0x30: {  	v1 =	vld.idx.msk [tilespmem:v1+s5+$0x0], $0xffff;
	_ =	sdelay $0x4  }
0x31: {  	[tilespmem:s29+$0x1A790] =	vst v1;
	v1 =	vld [tilespmem:s29+$0x187B0];
	_ =	sdelay $0x1  }
0x32: {  	v0 =	vld.idx.msk [tilespmem:v0+s5+$0x0], $0xffff;
	_ =	sdelay $0x4  }
0x33: {  	[tilespmem:s29+$0x1A7A0] =	vst v0;
	v0 =	vld [tilespmem:s29+$0x187C0]  }
0x34: {  	v1 =	vld.idx.msk [tilespmem:v1+s5+$0x0], $0xffff;
	_ =	sdelay $0x4  }
0x35: {  	[tilespmem:s29+$0x1A7B0] =	vst v1;
	v1 =	vld [tilespmem:s29+$0x187D0];
	_ =	sdelay $0x1  }
0x36: {  	v0 =	vld.idx.msk [tilespmem:v0+s5+$0x0], $0xffff;
	_ =	sdelay $0x4  }
0x37: {  	v2 =	vld [tilespmem:s29+$0x187E0];
	[tilespmem:s29+$0x1A7C0] =	vst v0  }
0x38: {  	v0 =	vld.idx.msk [tilespmem:v1+s5+$0x0], $0xffff;
	_ =	sdelay $0x4  }
0x39: {  	[tilespmem:s29+$0x1A7D0] =	vst v0;
	v0 =	vld [tilespmem:s29+$0x187F0];
	_ =	sdelay $0x1  }
0x3a: {  	v1 =	vld.idx.msk [tilespmem:v2+s5+$0x0], $0xffff;
	_ =	sdelay $0x3  }
0x3b: {  	s31 =	simm.s32 $0x800;
	s0 =	simm.s32 $0x100  }
.LBB2_3:
0x3c: {  	p0 =	sne.s32 s31, $0x3C00;
	v2 =	vld [tilespmem:s0+$0x18700];
	[tilespmem:s29+$0x1A7E0] =	vst v1  }
0x3d: {  	v0 =	vld.idx.msk [tilespmem:v0+s5+$0x0], $0xffff;
	_ =	sdelay $0x5  }
0x3e: {  	v1 =	vld [tilespmem:s0+$0x18710];
	[tilespmem:s29+$0x1A7F0] =	vst v0;
	s29 =	smov.u32 s0  }
0x3f: {  	v0 =	vld.idx.msk [tilespmem:v2+s5+$0x0], $0xffff;
	_ =	sdelay $0x5  }
0x40: {  	[tilespmem:s29+$0x1A700] =	vst v0;
	v0 =	vld [tilespmem:s29+$0x18720]  }
0x41: {  	v1 =	vld.idx.msk [tilespmem:v1+s5+$0x0], $0xffff;
	_ =	sdelay $0x5  }
0x42: {  	[tilespmem:s29+$0x1A710] =	vst v1;
	v1 =	vld [tilespmem:s29+$0x18730]  }
0x43: {  	v0 =	vld.idx.msk [tilespmem:v0+s5+$0x0], $0xffff;
	_ =	sdelay $0x5  }
0x44: {  	[tilespmem:s29+$0x1A720] =	vst v0;
	v0 =	vld [tilespmem:s29+$0x18740]  }
0x45: {  	v1 =	vld.idx.msk [tilespmem:v1+s5+$0x0], $0xffff;
	_ =	sdelay $0x5  }
0x46: {  	[tilespmem:s29+$0x1A730] =	vst v1;
	v1 =	vld [tilespmem:s29+$0x18750]  }
0x47: {  	v0 =	vld.idx.msk [tilespmem:v0+s5+$0x0], $0xffff;
	_ =	sdelay $0x5  }
0x48: {  	[tilespmem:s29+$0x1A740] =	vst v0;
	v0 =	vld [tilespmem:s29+$0x18760]  }
0x49: {  	v1 =	vld.idx.msk [tilespmem:v1+s5+$0x0], $0xffff;
	_ =	sdelay $0x5  }
0x4a: {  	[tilespmem:s29+$0x1A750] =	vst v1;
	v1 =	vld [tilespmem:s29+$0x18770]  }
0x4b: {  	v0 =	vld.idx.msk [tilespmem:v0+s5+$0x0], $0xffff;
	_ =	sdelay $0x5  }
0x4c: {  	[tilespmem:s29+$0x1A760] =	vst v0;
	v0 =	vld [tilespmem:s29+$0x18780]  }
0x4d: {  	v1 =	vld.idx.msk [tilespmem:v1+s5+$0x0], $0xffff;
	_ =	sdelay $0x5  }
0x4e: {  	[tilespmem:s29+$0x1A770] =	vst v1;
	v1 =	vld [tilespmem:s29+$0x18790]  }
0x4f: {  	v0 =	vld.idx.msk [tilespmem:v0+s5+$0x0], $0xffff;
	_ =	sdelay $0x5  }
0x50: {  	[tilespmem:s29+$0x1A780] =	vst v0;
	v0 =	vld [tilespmem:s29+$0x187A0]  }
0x51: {  	v1 =	vld.idx.msk [tilespmem:v1+s5+$0x0], $0xffff;
	_ =	sdelay $0x5  }
0x52: {  	[tilespmem:s29+$0x1A790] =	vst v1;
	v1 =	vld [tilespmem:s29+$0x187B0]  }
0x53: {  	v0 =	vld.idx.msk [tilespmem:v0+s5+$0x0], $0xffff;
	_ =	sdelay $0x5  }
0x54: {  	[tilespmem:s29+$0x1A7A0] =	vst v0;
	v0 =	vld [tilespmem:s29+$0x187C0]  }
0x55: {  	v1 =	vld.idx.msk [tilespmem:v1+s5+$0x0], $0xffff;
	_ =	sdelay $0x5  }
0x56: {  	[tilespmem:s29+$0x1A7B0] =	vst v1;
	v1 =	vld [tilespmem:s29+$0x187D0]  }
0x57: {  	v0 =	vld.idx.msk [tilespmem:v0+s5+$0x0], $0xffff;
	_ =	sdelay $0x5  }
0x58: {  	[tilespmem:s29+$0x1A7C0] =	vst v0;
	v2 =	vld [tilespmem:s29+$0x187E0]  }
0x59: {  	v0 =	vld.idx.msk [tilespmem:v1+s5+$0x0], $0xffff;
	_ =	sdelay $0x5  }
0x5a: {  	[tilespmem:s29+$0x1A7D0] =	vst v0;
	v0 =	vld [tilespmem:s29+$0x187F0]  }
0x5b: {  	v1 =	vld.idx.msk [tilespmem:v2+s5+$0x0], $0xffff  }
.Ltmp0:
0x5c: {  	(pc) =	sbr.rel @p0 .LBB2_3-.Ltmp0, $2  }
0x5d: {  	_ =	sdelay $0x2  }
0x5e: {  	s0 =	sshra.s32 s31, $0x2;
	s31 =	sadd.s32 $0x400, s31  }
0x5f: {  	_ =	sdelay $0x1  }
0x60: {  	v2 =	vld [tilespmem:s0+$0x18700]  }
0x61: {  	[tilespmem:s29+$0x1A7E0] =	vst v1  }
0x62: {  	v0 =	vld.idx.msk [tilespmem:v0+s5+$0x0], $0xffff;
	_ =	sdelay $0x3  }
0x63: {  	v1 =	vld [tilespmem:s0+$0x18710]  }
0x64: {  	[tilespmem:s29+$0x1A7F0] =	vst v0  }
0x65: {  	v0 =	vld.idx.msk [tilespmem:v2+s5+$0x0], $0xffff;
	_ =	sdelay $0x4  }
0x66: {  	[tilespmem:s0+$0x1A700] =	vst v0;
	v0 =	vld [tilespmem:s0+$0x18720]  }
0x67: {  	v1 =	vld.idx.msk [tilespmem:v1+s5+$0x0], $0xffff;
	_ =	sdelay $0x4  }
0x68: {  	[tilespmem:s0+$0x1A710] =	vst v1;
	v1 =	vld [tilespmem:s0+$0x18730];
	_ =	sdelay $0x1  }
0x69: {  	v0 =	vld.idx.msk [tilespmem:v0+s5+$0x0], $0xffff;
	_ =	sdelay $0x4  }
0x6a: {  	[tilespmem:s0+$0x1A720] =	vst v0;
	v0 =	vld [tilespmem:s0+$0x18740]  }
0x6b: {  	v1 =	vld.idx.msk [tilespmem:v1+s5+$0x0], $0xffff;
	_ =	sdelay $0x4  }
0x6c: {  	[tilespmem:s0+$0x1A730] =	vst v1;
	v1 =	vld [tilespmem:s0+$0x18750];
	_ =	sdelay $0x1  }
0x6d: {  	v0 =	vld.idx.msk [tilespmem:v0+s5+$0x0], $0xffff;
	_ =	sdelay $0x4  }
0x6e: {  	[tilespmem:s0+$0x1A740] =	vst v0;
	v0 =	vld [tilespmem:s0+$0x18760]  }
0x6f: {  	v1 =	vld.idx.msk [tilespmem:v1+s5+$0x0], $0xffff;
	_ =	sdelay $0x4  }
0x70: {  	[tilespmem:s0+$0x1A750] =	vst v1;
	v1 =	vld [tilespmem:s0+$0x18770];
	_ =	sdelay $0x1  }
0x71: {  	v0 =	vld.idx.msk [tilespmem:v0+s5+$0x0], $0xffff;
	_ =	sdelay $0x4  }
0x72: {  	[tilespmem:s0+$0x1A760] =	vst v0;
	v0 =	vld [tilespmem:s0+$0x18780]  }
0x73: {  	v1 =	vld.idx.msk [tilespmem:v1+s5+$0x0], $0xffff;
	_ =	sdelay $0x4  }
0x74: {  	[tilespmem:s0+$0x1A770] =	vst v1;
	v1 =	vld [tilespmem:s0+$0x18790];
	_ =	sdelay $0x1  }
0x75: {  	v0 =	vld.idx.msk [tilespmem:v0+s5+$0x0], $0xffff;
	_ =	sdelay $0x4  }
0x76: {  	[tilespmem:s0+$0x1A780] =	vst v0;
	v0 =	vld [tilespmem:s0+$0x187A0]  }
0x77: {  	v1 =	vld.idx.msk [tilespmem:v1+s5+$0x0], $0xffff;
	_ =	sdelay $0x4  }
0x78: {  	[tilespmem:s0+$0x1A790] =	vst v1;
	v1 =	vld [tilespmem:s0+$0x187B0];
	_ =	sdelay $0x1  }
0x79: {  	v0 =	vld.idx.msk [tilespmem:v0+s5+$0x0], $0xffff;
	_ =	sdelay $0x4  }
0x7a: {  	[tilespmem:s0+$0x1A7A0] =	vst v0;
	v0 =	vld [tilespmem:s0+$0x187C0]  }
0x7b: {  	v1 =	vld.idx.msk [tilespmem:v1+s5+$0x0], $0xffff;
	_ =	sdelay $0x4  }
0x7c: {  	[tilespmem:s0+$0x1A7B0] =	vst v1;
	v1 =	vld [tilespmem:s0+$0x187D0];
	_ =	sdelay $0x1  }
0x7d: {  	v0 =	vld.idx.msk [tilespmem:v0+s5+$0x0], $0xffff;
	_ =	sdelay $0x4  }
0x7e: {  	[tilespmem:s0+$0x1A7C0] =	vst v0;
	v0 =	vld [tilespmem:s0+$0x187E0]  }
0x7f: {  	v1 =	vld.idx.msk [tilespmem:v1+s5+$0x0], $0xffff;
	_ =	sdelay $0x4  }
0x80: {  	[tilespmem:s0+$0x1A7D0] =	vst v1;
	v1 =	vld [tilespmem:s0+$0x187F0];
	_ =	sdelay $0x1  }
0x81: {  	v0 =	vld.idx.msk [tilespmem:v0+s5+$0x0], $0xffff;
	_ =	sdelay $0x4  }
0x82: {  	[tilespmem:s0+$0x1A7E0] =	vst v0  }
0x83: {  	v0 =	vld.idx.msk [tilespmem:v1+s5+$0x0], $0xffff;
	_ =	sdelay $0x1  }
0x84: {  	s29 =	sshll.u32 s28, $0x11  }
0x85: {  	s3 =	sor.u32 s29, s8  }
0x86: {  	s3 =	sshrl.u32 s3, $0x3  }
0x87: {  	s3 =	sadd.s32 s4, s3;
	[tilespmem:s0+$0x1A7F0] =	vst v0  }
0x88: {  	[hbm4b:s3+s16] =	stream.strided.scatter [tilespmem:s23], [sflag:$0x3], $0x1000, s17, s16, $0x38;
	[tilespmem:$0x1C700] =	vst v63  }
0x89: {  	_ =	swait.ge [sflag:s21], $0x1000  }
0x8a: {  	[sflag:s21] =	ssyncset.done $0x0  }
0x8b: {  	s31 =	simm.s32 $0x0;
	s3 =	sadd.s32 s30, s10;
	[sflag:s21] =	ssyncadd.s32 $0xFFFFF000  }
0x8c: {  	[tilespmem:s19], [sflag:$0x2] =	stream.strided.gather [hbm4b:s3+s16], $0x1000, s18, s16, $0x38;
	[tilespmem:$0x1C700] =	vst v63  }
0x8d: {  	v0 =	vld [tilespmem:s31+$0x19700];
	_ =	sdelay $0x5  }
0x8e: {  	v1 =	vld [tilespmem:s31+$0x19710];
	_ =	sdelay $0x1  }
0x8f: {  	v0 =	vld.idx.msk [tilespmem:v0+s5+$0x0], $0xffff;
	_ =	sdelay $0x4  }
0x90: {  	[tilespmem:s31+$0x1B700] =	vst v0;
	v0 =	vld [tilespmem:s31+$0x19720]  }
0x91: {  	v1 =	vld.idx.msk [tilespmem:v1+s5+$0x0], $0xffff;
	_ =	sdelay $0x4  }
0x92: {  	[tilespmem:s31+$0x1B710] =	vst v1;
	v1 =	vld [tilespmem:s31+$0x19730];
	_ =	sdelay $0x1  }
0x93: {  	v0 =	vld.idx.msk [tilespmem:v0+s5+$0x0], $0xffff;
	_ =	sdelay $0x4  }
0x94: {  	[tilespmem:s31+$0x1B720] =	vst v0;
	v0 =	vld [tilespmem:s31+$0x19740]  }
0x95: {  	v1 =	vld.idx.msk [tilespmem:v1+s5+$0x0], $0xffff;
	_ =	sdelay $0x4  }
0x96: {  	[tilespmem:s31+$0x1B730] =	vst v1;
	v1 =	vld [tilespmem:s31+$0x19750];
	_ =	sdelay $0x1  }
0x97: {  	v0 =	vld.idx.msk [tilespmem:v0+s5+$0x0], $0xffff;
	_ =	sdelay $0x4  }
0x98: {  	[tilespmem:s31+$0x1B740] =	vst v0;
	v0 =	vld [tilespmem:s31+$0x19760]  }
0x99: {  	v1 =	vld.idx.msk [tilespmem:v1+s5+$0x0], $0xffff;
	_ =	sdelay $0x4  }
0x9a: {  	[tilespmem:s31+$0x1B750] =	vst v1;
	v1 =	vld [tilespmem:s31+$0x19770];
	_ =	sdelay $0x1  }
0x9b: {  	v0 =	vld.idx.msk [tilespmem:v0+s5+$0x0], $0xffff;
	_ =	sdelay $0x4  }
0x9c: {  	[tilespmem:s31+$0x1B760] =	vst v0;
	v0 =	vld [tilespmem:s31+$0x19780]  }
0x9d: {  	v1 =	vld.idx.msk [tilespmem:v1+s5+$0x0], $0xffff;
	_ =	sdelay $0x4  }
0x9e: {  	[tilespmem:s31+$0x1B770] =	vst v1;
	v1 =	vld [tilespmem:s31+$0x19790];
	_ =	sdelay $0x1  }
0x9f: {  	v0 =	vld.idx.msk [tilespmem:v0+s5+$0x0], $0xffff;
	_ =	sdelay $0x4  }
0xa0: {  	[tilespmem:s31+$0x1B780] =	vst v0;
	v0 =	vld [tilespmem:s31+$0x197A0]  }
0xa1: {  	v1 =	vld.idx.msk [tilespmem:v1+s5+$0x0], $0xffff;
	_ =	sdelay $0x4  }
0xa2: {  	[tilespmem:s31+$0x1B790] =	vst v1;
	v1 =	vld [tilespmem:s31+$0x197B0];
	_ =	sdelay $0x1  }
0xa3: {  	v0 =	vld.idx.msk [tilespmem:v0+s5+$0x0], $0xffff;
	_ =	sdelay $0x4  }
0xa4: {  	[tilespmem:s31+$0x1B7A0] =	vst v0;
	v0 =	vld [tilespmem:s31+$0x197C0]  }
0xa5: {  	v1 =	vld.idx.msk [tilespmem:v1+s5+$0x0], $0xffff;
	_ =	sdelay $0x4  }
0xa6: {  	[tilespmem:s31+$0x1B7B0] =	vst v1;
	v1 =	vld [tilespmem:s31+$0x197D0];
	_ =	sdelay $0x1  }
0xa7: {  	v0 =	vld.idx.msk [tilespmem:v0+s5+$0x0], $0xffff;
	_ =	sdelay $0x4  }
0xa8: {  	v2 =	vld [tilespmem:s31+$0x197E0];
	[tilespmem:s31+$0x1B7C0] =	vst v0  }
0xa9: {  	v0 =	vld.idx.msk [tilespmem:v1+s5+$0x0], $0xffff;
	_ =	sdelay $0x4  }
0xaa: {  	[tilespmem:s31+$0x1B7D0] =	vst v0;
	v0 =	vld [tilespmem:s31+$0x197F0];
	_ =	sdelay $0x1  }
0xab: {  	v1 =	vld.idx.msk [tilespmem:v2+s5+$0x0], $0xffff;
	_ =	sdelay $0x3  }
0xac: {  	s0 =	simm.s32 $0x800;
	s3 =	simm.s32 $0x100  }
.LBB2_5:
0xad: {  	p0 =	sne.s32 s0, $0x3C00;
	v2 =	vld [tilespmem:s3+$0x19700];
	[tilespmem:s31+$0x1B7E0] =	vst v1  }
0xae: {  	v0 =	vld.idx.msk [tilespmem:v0+s5+$0x0], $0xffff;
	_ =	sdelay $0x5  }
0xaf: {  	v1 =	vld [tilespmem:s3+$0x19710];
	[tilespmem:s31+$0x1B7F0] =	vst v0;
	s31 =	smov.u32 s3  }
0xb0: {  	v0 =	vld.idx.msk [tilespmem:v2+s5+$0x0], $0xffff;
	_ =	sdelay $0x5  }
0xb1: {  	[tilespmem:s31+$0x1B700] =	vst v0;
	v0 =	vld [tilespmem:s31+$0x19720]  }
0xb2: {  	v1 =	vld.idx.msk [tilespmem:v1+s5+$0x0], $0xffff;
	_ =	sdelay $0x5  }
0xb3: {  	[tilespmem:s31+$0x1B710] =	vst v1;
	v1 =	vld [tilespmem:s31+$0x19730]  }
0xb4: {  	v0 =	vld.idx.msk [tilespmem:v0+s5+$0x0], $0xffff;
	_ =	sdelay $0x5  }
0xb5: {  	[tilespmem:s31+$0x1B720] =	vst v0;
	v0 =	vld [tilespmem:s31+$0x19740]  }
0xb6: {  	v1 =	vld.idx.msk [tilespmem:v1+s5+$0x0], $0xffff;
	_ =	sdelay $0x5  }
0xb7: {  	[tilespmem:s31+$0x1B730] =	vst v1;
	v1 =	vld [tilespmem:s31+$0x19750]  }
0xb8: {  	v0 =	vld.idx.msk [tilespmem:v0+s5+$0x0], $0xffff;
	_ =	sdelay $0x5  }
0xb9: {  	[tilespmem:s31+$0x1B740] =	vst v0;
	v0 =	vld [tilespmem:s31+$0x19760]  }
0xba: {  	v1 =	vld.idx.msk [tilespmem:v1+s5+$0x0], $0xffff;
	_ =	sdelay $0x5  }
0xbb: {  	[tilespmem:s31+$0x1B750] =	vst v1;
	v1 =	vld [tilespmem:s31+$0x19770]  }
0xbc: {  	v0 =	vld.idx.msk [tilespmem:v0+s5+$0x0], $0xffff;
	_ =	sdelay $0x5  }
0xbd: {  	[tilespmem:s31+$0x1B760] =	vst v0;
	v0 =	vld [tilespmem:s31+$0x19780]  }
0xbe: {  	v1 =	vld.idx.msk [tilespmem:v1+s5+$0x0], $0xffff;
	_ =	sdelay $0x5  }
0xbf: {  	[tilespmem:s31+$0x1B770] =	vst v1;
	v1 =	vld [tilespmem:s31+$0x19790]  }
0xc0: {  	v0 =	vld.idx.msk [tilespmem:v0+s5+$0x0], $0xffff;
	_ =	sdelay $0x5  }
0xc1: {  	[tilespmem:s31+$0x1B780] =	vst v0;
	v0 =	vld [tilespmem:s31+$0x197A0]  }
0xc2: {  	v1 =	vld.idx.msk [tilespmem:v1+s5+$0x0], $0xffff;
	_ =	sdelay $0x5  }
0xc3: {  	[tilespmem:s31+$0x1B790] =	vst v1;
	v1 =	vld [tilespmem:s31+$0x197B0]  }
0xc4: {  	v0 =	vld.idx.msk [tilespmem:v0+s5+$0x0], $0xffff;
	_ =	sdelay $0x5  }
0xc5: {  	[tilespmem:s31+$0x1B7A0] =	vst v0;
	v0 =	vld [tilespmem:s31+$0x197C0]  }
0xc6: {  	v1 =	vld.idx.msk [tilespmem:v1+s5+$0x0], $0xffff;
	_ =	sdelay $0x5  }
0xc7: {  	[tilespmem:s31+$0x1B7B0] =	vst v1;
	v1 =	vld [tilespmem:s31+$0x197D0]  }
0xc8: {  	v0 =	vld.idx.msk [tilespmem:v0+s5+$0x0], $0xffff;
	_ =	sdelay $0x5  }
0xc9: {  	[tilespmem:s31+$0x1B7C0] =	vst v0;
	v2 =	vld [tilespmem:s31+$0x197E0]  }
0xca: {  	v0 =	vld.idx.msk [tilespmem:v1+s5+$0x0], $0xffff;
	_ =	sdelay $0x5  }
0xcb: {  	[tilespmem:s31+$0x1B7D0] =	vst v0;
	v0 =	vld [tilespmem:s31+$0x197F0]  }
0xcc: {  	v1 =	vld.idx.msk [tilespmem:v2+s5+$0x0], $0xffff  }
.Ltmp1:
0xcd: {  	(pc) =	sbr.rel @p0 .LBB2_5-.Ltmp1, $2  }
0xce: {  	_ =	sdelay $0x2  }
0xcf: {  	s3 =	sshra.s32 s0, $0x2;
	s0 =	sadd.s32 $0x400, s0  }
0xd0: {  	_ =	sdelay $0x1  }
0xd1: {  	v2 =	vld [tilespmem:s3+$0x19700]  }
0xd2: {  	[tilespmem:s31+$0x1B7E0] =	vst v1  }
0xd3: {  	v0 =	vld.idx.msk [tilespmem:v0+s5+$0x0], $0xffff;
	_ =	sdelay $0x3  }
0xd4: {  	v1 =	vld [tilespmem:s3+$0x19710]  }
0xd5: {  	[tilespmem:s31+$0x1B7F0] =	vst v0  }
0xd6: {  	v0 =	vld.idx.msk [tilespmem:v2+s5+$0x0], $0xffff;
	_ =	sdelay $0x4  }
0xd7: {  	[tilespmem:s3+$0x1B700] =	vst v0;
	v0 =	vld [tilespmem:s3+$0x19720]  }
0xd8: {  	v1 =	vld.idx.msk [tilespmem:v1+s5+$0x0], $0xffff;
	_ =	sdelay $0x4  }
0xd9: {  	[tilespmem:s3+$0x1B710] =	vst v1;
	v1 =	vld [tilespmem:s3+$0x19730];
	_ =	sdelay $0x1  }
0xda: {  	v0 =	vld.idx.msk [tilespmem:v0+s5+$0x0], $0xffff;
	_ =	sdelay $0x4  }
0xdb: {  	[tilespmem:s3+$0x1B720] =	vst v0;
	v0 =	vld [tilespmem:s3+$0x19740]  }
0xdc: {  	v1 =	vld.idx.msk [tilespmem:v1+s5+$0x0], $0xffff;
	_ =	sdelay $0x4  }
0xdd: {  	[tilespmem:s3+$0x1B730] =	vst v1;
	v1 =	vld [tilespmem:s3+$0x19750];
	_ =	sdelay $0x1  }
0xde: {  	v0 =	vld.idx.msk [tilespmem:v0+s5+$0x0], $0xffff;
	_ =	sdelay $0x4  }
0xdf: {  	[tilespmem:s3+$0x1B740] =	vst v0;
	v0 =	vld [tilespmem:s3+$0x19760]  }
0xe0: {  	v1 =	vld.idx.msk [tilespmem:v1+s5+$0x0], $0xffff;
	_ =	sdelay $0x4  }
0xe1: {  	[tilespmem:s3+$0x1B750] =	vst v1;
	v1 =	vld [tilespmem:s3+$0x19770];
	_ =	sdelay $0x1  }
0xe2: {  	v0 =	vld.idx.msk [tilespmem:v0+s5+$0x0], $0xffff;
	_ =	sdelay $0x4  }
0xe3: {  	[tilespmem:s3+$0x1B760] =	vst v0;
	v0 =	vld [tilespmem:s3+$0x19780]  }
0xe4: {  	v1 =	vld.idx.msk [tilespmem:v1+s5+$0x0], $0xffff;
	_ =	sdelay $0x4  }
0xe5: {  	[tilespmem:s3+$0x1B770] =	vst v1;
	v1 =	vld [tilespmem:s3+$0x19790];
	_ =	sdelay $0x1  }
0xe6: {  	v0 =	vld.idx.msk [tilespmem:v0+s5+$0x0], $0xffff;
	_ =	sdelay $0x4  }
0xe7: {  	[tilespmem:s3+$0x1B780] =	vst v0;
	v0 =	vld [tilespmem:s3+$0x197A0]  }
0xe8: {  	v1 =	vld.idx.msk [tilespmem:v1+s5+$0x0], $0xffff;
	_ =	sdelay $0x4  }
0xe9: {  	[tilespmem:s3+$0x1B790] =	vst v1;
	v1 =	vld [tilespmem:s3+$0x197B0];
	_ =	sdelay $0x1  }
0xea: {  	v0 =	vld.idx.msk [tilespmem:v0+s5+$0x0], $0xffff;
	_ =	sdelay $0x4  }
0xeb: {  	[tilespmem:s3+$0x1B7A0] =	vst v0;
	v0 =	vld [tilespmem:s3+$0x197C0]  }
0xec: {  	v1 =	vld.idx.msk [tilespmem:v1+s5+$0x0], $0xffff;
	_ =	sdelay $0x4  }
0xed: {  	[tilespmem:s3+$0x1B7B0] =	vst v1;
	v1 =	vld [tilespmem:s3+$0x197D0];
	_ =	sdelay $0x1  }
0xee: {  	v0 =	vld.idx.msk [tilespmem:v0+s5+$0x0], $0xffff;
	_ =	sdelay $0x4  }
0xef: {  	[tilespmem:s3+$0x1B7C0] =	vst v0;
	v0 =	vld [tilespmem:s3+$0x197E0]  }
0xf0: {  	v1 =	vld.idx.msk [tilespmem:v1+s5+$0x0], $0xffff;
	_ =	sdelay $0x4  }
0xf1: {  	[tilespmem:s3+$0x1B7D0] =	vst v1;
	v1 =	vld [tilespmem:s3+$0x197F0];
	_ =	sdelay $0x1  }
0xf2: {  	v0 =	vld.idx.msk [tilespmem:v0+s5+$0x0], $0xffff;
	_ =	sdelay $0x4  }
0xf3: {  	[tilespmem:s3+$0x1B7E0] =	vst v0  }
0xf4: {  	v0 =	vld.idx.msk [tilespmem:v1+s5+$0x0], $0xffff;
	_ =	sdelay $0x2  }
0xf5: {  	s0 =	sadd.s32 s11, s29  }
0xf6: {  	s0 =	sshrl.u32 s0, $0x3  }
0xf7: {  	s0 =	sadd.s32 s4, s0;
	[tilespmem:s3+$0x1B7F0] =	vst v0  }
0xf8: {  	[hbm4b:s0+s16] =	stream.strided.scatter [tilespmem:s24], [sflag:$0x3], $0x1000, s17, s16, $0x38;
	[tilespmem:$0x1C700] =	vst v63  }
0xf9: {  	_ =	swait.ge [sflag:s21], $0x1000  }
0xfa: {  	[sflag:s21] =	ssyncset.done $0x0  }
0xfb: {  	s31 =	sadd.s32 s30, s12;
	[sflag:s21] =	ssyncadd.s32 $0xFFFFF000  }
0xfc: {  	[tilespmem:s22], [sflag:$0x2] =	stream.strided.gather [hbm4b:s31+s16], $0x1000, s18, s16, $0x38;
	[tilespmem:$0x1C700] =	vst v63  }
0xfd: {  	_ =	swait.ge [sflag:s25], $0x1000  }
0xfe: {  	[sflag:s25] =	ssyncset.done $0x0  }
0xff: {  	s30 =	simm.s32 $0x0;
	[sflag:s25] =	ssyncadd.s32 $0xFFFFF000  }
0x100: {  	v0 =	vld [tilespmem:s30+$0x18700];
	_ =	sdelay $0x5  }
0x101: {  	v1 =	vld [tilespmem:s30+$0x18710];
	_ =	sdelay $0x1  }
0x102: {  	v0 =	vld.idx.msk [tilespmem:v0+s5+$0x0], $0xffff;
	_ =	sdelay $0x4  }
0x103: {  	[tilespmem:s30+$0x1A700] =	vst v0;
	v0 =	vld [tilespmem:s30+$0x18720]  }
0x104: {  	v1 =	vld.idx.msk [tilespmem:v1+s5+$0x0], $0xffff;
	_ =	sdelay $0x4  }
0x105: {  	[tilespmem:s30+$0x1A710] =	vst v1;
	v1 =	vld [tilespmem:s30+$0x18730];
	_ =	sdelay $0x1  }
0x106: {  	v0 =	vld.idx.msk [tilespmem:v0+s5+$0x0], $0xffff;
	_ =	sdelay $0x4  }
0x107: {  	[tilespmem:s30+$0x1A720] =	vst v0;
	v0 =	vld [tilespmem:s30+$0x18740]  }
0x108: {  	v1 =	vld.idx.msk [tilespmem:v1+s5+$0x0], $0xffff;
	_ =	sdelay $0x4  }
0x109: {  	[tilespmem:s30+$0x1A730] =	vst v1;
	v1 =	vld [tilespmem:s30+$0x18750];
	_ =	sdelay $0x1  }
0x10a: {  	v0 =	vld.idx.msk [tilespmem:v0+s5+$0x0], $0xffff;
	_ =	sdelay $0x4  }
0x10b: {  	[tilespmem:s30+$0x1A740] =	vst v0;
	v0 =	vld [tilespmem:s30+$0x18760]  }
0x10c: {  	v1 =	vld.idx.msk [tilespmem:v1+s5+$0x0], $0xffff;
	_ =	sdelay $0x4  }
0x10d: {  	[tilespmem:s30+$0x1A750] =	vst v1;
	v1 =	vld [tilespmem:s30+$0x18770];
	_ =	sdelay $0x1  }
0x10e: {  	v0 =	vld.idx.msk [tilespmem:v0+s5+$0x0], $0xffff;
	_ =	sdelay $0x4  }
0x10f: {  	[tilespmem:s30+$0x1A760] =	vst v0;
	v0 =	vld [tilespmem:s30+$0x18780]  }
0x110: {  	v1 =	vld.idx.msk [tilespmem:v1+s5+$0x0], $0xffff;
	_ =	sdelay $0x4  }
0x111: {  	[tilespmem:s30+$0x1A770] =	vst v1;
	v1 =	vld [tilespmem:s30+$0x18790];
	_ =	sdelay $0x1  }
0x112: {  	v0 =	vld.idx.msk [tilespmem:v0+s5+$0x0], $0xffff;
	_ =	sdelay $0x4  }
0x113: {  	[tilespmem:s30+$0x1A780] =	vst v0;
	v0 =	vld [tilespmem:s30+$0x187A0]  }
0x114: {  	v1 =	vld.idx.msk [tilespmem:v1+s5+$0x0], $0xffff;
	_ =	sdelay $0x4  }
0x115: {  	[tilespmem:s30+$0x1A790] =	vst v1;
	v1 =	vld [tilespmem:s30+$0x187B0];
	_ =	sdelay $0x1  }
0x116: {  	v0 =	vld.idx.msk [tilespmem:v0+s5+$0x0], $0xffff;
	_ =	sdelay $0x4  }
0x117: {  	[tilespmem:s30+$0x1A7A0] =	vst v0;
	v0 =	vld [tilespmem:s30+$0x187C0]  }
0x118: {  	v1 =	vld.idx.msk [tilespmem:v1+s5+$0x0], $0xffff;
	_ =	sdelay $0x4  }
0x119: {  	[tilespmem:s30+$0x1A7B0] =	vst v1;
	v1 =	vld [tilespmem:s30+$0x187D0];
	_ =	sdelay $0x1  }
0x11a: {  	v0 =	vld.idx.msk [tilespmem:v0+s5+$0x0], $0xffff;
	_ =	sdelay $0x4  }
0x11b: {  	v2 =	vld [tilespmem:s30+$0x187E0];
	[tilespmem:s30+$0x1A7C0] =	vst v0  }
0x11c: {  	v0 =	vld.idx.msk [tilespmem:v1+s5+$0x0], $0xffff;
	_ =	sdelay $0x4  }
0x11d: {  	[tilespmem:s30+$0x1A7D0] =	vst v0;
	v0 =	vld [tilespmem:s30+$0x187F0];
	_ =	sdelay $0x1  }
0x11e: {  	v1 =	vld.idx.msk [tilespmem:v2+s5+$0x0], $0xffff;
	_ =	sdelay $0x3  }
0x11f: {  	s3 =	simm.s32 $0x100;
	s0 =	simm.s32 $0x800  }
.LBB2_7:
0x120: {  	p0 =	sne.s32 s0, $0x3C00;
	v2 =	vld [tilespmem:s3+$0x18700];
	[tilespmem:s30+$0x1A7E0] =	vst v1  }
0x121: {  	v0 =	vld.idx.msk [tilespmem:v0+s5+$0x0], $0xffff;
	_ =	sdelay $0x5  }
0x122: {  	v1 =	vld [tilespmem:s3+$0x18710];
	[tilespmem:s30+$0x1A7F0] =	vst v0;
	s30 =	smov.u32 s3  }
0x123: {  	v0 =	vld.idx.msk [tilespmem:v2+s5+$0x0], $0xffff;
	_ =	sdelay $0x5  }
0x124: {  	[tilespmem:s30+$0x1A700] =	vst v0;
	v0 =	vld [tilespmem:s30+$0x18720]  }
0x125: {  	v1 =	vld.idx.msk [tilespmem:v1+s5+$0x0], $0xffff;
	_ =	sdelay $0x5  }
0x126: {  	[tilespmem:s30+$0x1A710] =	vst v1;
	v1 =	vld [tilespmem:s30+$0x18730]  }
0x127: {  	v0 =	vld.idx.msk [tilespmem:v0+s5+$0x0], $0xffff;
	_ =	sdelay $0x5  }
0x128: {  	[tilespmem:s30+$0x1A720] =	vst v0;
	v0 =	vld [tilespmem:s30+$0x18740]  }
0x129: {  	v1 =	vld.idx.msk [tilespmem:v1+s5+$0x0], $0xffff;
	_ =	sdelay $0x5  }
0x12a: {  	[tilespmem:s30+$0x1A730] =	vst v1;
	v1 =	vld [tilespmem:s30+$0x18750]  }
0x12b: {  	v0 =	vld.idx.msk [tilespmem:v0+s5+$0x0], $0xffff;
	_ =	sdelay $0x5  }
0x12c: {  	[tilespmem:s30+$0x1A740] =	vst v0;
	v0 =	vld [tilespmem:s30+$0x18760]  }
0x12d: {  	v1 =	vld.idx.msk [tilespmem:v1+s5+$0x0], $0xffff;
	_ =	sdelay $0x5  }
0x12e: {  	[tilespmem:s30+$0x1A750] =	vst v1;
	v1 =	vld [tilespmem:s30+$0x18770]  }
0x12f: {  	v0 =	vld.idx.msk [tilespmem:v0+s5+$0x0], $0xffff;
	_ =	sdelay $0x5  }
0x130: {  	[tilespmem:s30+$0x1A760] =	vst v0;
	v0 =	vld [tilespmem:s30+$0x18780]  }
0x131: {  	v1 =	vld.idx.msk [tilespmem:v1+s5+$0x0], $0xffff;
	_ =	sdelay $0x5  }
0x132: {  	[tilespmem:s30+$0x1A770] =	vst v1;
	v1 =	vld [tilespmem:s30+$0x18790]  }
0x133: {  	v0 =	vld.idx.msk [tilespmem:v0+s5+$0x0], $0xffff;
	_ =	sdelay $0x5  }
0x134: {  	[tilespmem:s30+$0x1A780] =	vst v0;
	v0 =	vld [tilespmem:s30+$0x187A0]  }
0x135: {  	v1 =	vld.idx.msk [tilespmem:v1+s5+$0x0], $0xffff;
	_ =	sdelay $0x5  }
0x136: {  	[tilespmem:s30+$0x1A790] =	vst v1;
	v1 =	vld [tilespmem:s30+$0x187B0]  }
0x137: {  	v0 =	vld.idx.msk [tilespmem:v0+s5+$0x0], $0xffff;
	_ =	sdelay $0x5  }
0x138: {  	[tilespmem:s30+$0x1A7A0] =	vst v0;
	v0 =	vld [tilespmem:s30+$0x187C0]  }
0x139: {  	v1 =	vld.idx.msk [tilespmem:v1+s5+$0x0], $0xffff;
	_ =	sdelay $0x5  }
0x13a: {  	[tilespmem:s30+$0x1A7B0] =	vst v1;
	v1 =	vld [tilespmem:s30+$0x187D0]  }
0x13b: {  	v0 =	vld.idx.msk [tilespmem:v0+s5+$0x0], $0xffff;
	_ =	sdelay $0x5  }
0x13c: {  	[tilespmem:s30+$0x1A7C0] =	vst v0;
	v2 =	vld [tilespmem:s30+$0x187E0]  }
0x13d: {  	v0 =	vld.idx.msk [tilespmem:v1+s5+$0x0], $0xffff;
	_ =	sdelay $0x5  }
0x13e: {  	[tilespmem:s30+$0x1A7D0] =	vst v0;
	v0 =	vld [tilespmem:s30+$0x187F0]  }
0x13f: {  	v1 =	vld.idx.msk [tilespmem:v2+s5+$0x0], $0xffff  }
.Ltmp2:
0x140: {  	(pc) =	sbr.rel @p0 .LBB2_7-.Ltmp2, $2  }
0x141: {  	_ =	sdelay $0x2  }
0x142: {  	s3 =	sshra.s32 s0, $0x2;
	s0 =	sadd.s32 $0x400, s0  }
0x143: {  	_ =	sdelay $0x1  }
0x144: {  	v2 =	vld [tilespmem:s3+$0x18700]  }
0x145: {  	[tilespmem:s30+$0x1A7E0] =	vst v1  }
0x146: {  	v0 =	vld.idx.msk [tilespmem:v0+s5+$0x0], $0xffff;
	_ =	sdelay $0x3  }
0x147: {  	v1 =	vld [tilespmem:s3+$0x18710]  }
0x148: {  	[tilespmem:s30+$0x1A7F0] =	vst v0  }
0x149: {  	v0 =	vld.idx.msk [tilespmem:v2+s5+$0x0], $0xffff;
	_ =	sdelay $0x4  }
0x14a: {  	[tilespmem:s3+$0x1A700] =	vst v0;
	v0 =	vld [tilespmem:s3+$0x18720]  }
0x14b: {  	v1 =	vld.idx.msk [tilespmem:v1+s5+$0x0], $0xffff;
	_ =	sdelay $0x4  }
0x14c: {  	[tilespmem:s3+$0x1A710] =	vst v1;
	v1 =	vld [tilespmem:s3+$0x18730];
	_ =	sdelay $0x1  }
0x14d: {  	v0 =	vld.idx.msk [tilespmem:v0+s5+$0x0], $0xffff;
	_ =	sdelay $0x4  }
0x14e: {  	[tilespmem:s3+$0x1A720] =	vst v0;
	v0 =	vld [tilespmem:s3+$0x18740]  }
0x14f: {  	v1 =	vld.idx.msk [tilespmem:v1+s5+$0x0], $0xffff;
	_ =	sdelay $0x4  }
0x150: {  	[tilespmem:s3+$0x1A730] =	vst v1;
	v1 =	vld [tilespmem:s3+$0x18750];
	_ =	sdelay $0x1  }
0x151: {  	v0 =	vld.idx.msk [tilespmem:v0+s5+$0x0], $0xffff;
	_ =	sdelay $0x4  }
0x152: {  	[tilespmem:s3+$0x1A740] =	vst v0;
	v0 =	vld [tilespmem:s3+$0x18760]  }
0x153: {  	v1 =	vld.idx.msk [tilespmem:v1+s5+$0x0], $0xffff;
	_ =	sdelay $0x4  }
0x154: {  	[tilespmem:s3+$0x1A750] =	vst v1;
	v1 =	vld [tilespmem:s3+$0x18770];
	_ =	sdelay $0x1  }
0x155: {  	v0 =	vld.idx.msk [tilespmem:v0+s5+$0x0], $0xffff;
	_ =	sdelay $0x4  }
0x156: {  	[tilespmem:s3+$0x1A760] =	vst v0;
	v0 =	vld [tilespmem:s3+$0x18780]  }
0x157: {  	v1 =	vld.idx.msk [tilespmem:v1+s5+$0x0], $0xffff;
	_ =	sdelay $0x4  }
0x158: {  	[tilespmem:s3+$0x1A770] =	vst v1;
	v1 =	vld [tilespmem:s3+$0x18790];
	_ =	sdelay $0x1  }
0x159: {  	v0 =	vld.idx.msk [tilespmem:v0+s5+$0x0], $0xffff;
	_ =	sdelay $0x4  }
0x15a: {  	[tilespmem:s3+$0x1A780] =	vst v0;
	v0 =	vld [tilespmem:s3+$0x187A0]  }
0x15b: {  	v1 =	vld.idx.msk [tilespmem:v1+s5+$0x0], $0xffff;
	_ =	sdelay $0x4  }
0x15c: {  	[tilespmem:s3+$0x1A790] =	vst v1;
	v1 =	vld [tilespmem:s3+$0x187B0];
	_ =	sdelay $0x1  }
0x15d: {  	v0 =	vld.idx.msk [tilespmem:v0+s5+$0x0], $0xffff;
	_ =	sdelay $0x4  }
0x15e: {  	[tilespmem:s3+$0x1A7A0] =	vst v0;
	v0 =	vld [tilespmem:s3+$0x187C0]  }
0x15f: {  	v1 =	vld.idx.msk [tilespmem:v1+s5+$0x0], $0xffff;
	_ =	sdelay $0x4  }
0x160: {  	[tilespmem:s3+$0x1A7B0] =	vst v1;
	v1 =	vld [tilespmem:s3+$0x187D0];
	_ =	sdelay $0x1  }
0x161: {  	v0 =	vld.idx.msk [tilespmem:v0+s5+$0x0], $0xffff;
	_ =	sdelay $0x4  }
0x162: {  	[tilespmem:s3+$0x1A7C0] =	vst v0;
	v0 =	vld [tilespmem:s3+$0x187E0]  }
0x163: {  	v1 =	vld.idx.msk [tilespmem:v1+s5+$0x0], $0xffff;
	_ =	sdelay $0x4  }
0x164: {  	[tilespmem:s3+$0x1A7D0] =	vst v1;
	v1 =	vld [tilespmem:s3+$0x187F0];
	_ =	sdelay $0x1  }
0x165: {  	v0 =	vld.idx.msk [tilespmem:v0+s5+$0x0], $0xffff;
	_ =	sdelay $0x4  }
0x166: {  	[tilespmem:s3+$0x1A7E0] =	vst v0  }
0x167: {  	v0 =	vld.idx.msk [tilespmem:v1+s5+$0x0], $0xffff;
	_ =	sdelay $0x2  }
0x168: {  	s0 =	sadd.s32 s13, s29  }
0x169: {  	s0 =	sshrl.u32 s0, $0x3  }
0x16a: {  	s0 =	sadd.s32 s4, s0;
	[tilespmem:s3+$0x1A7F0] =	vst v0  }
0x16b: {  	[hbm4b:s0+s16] =	stream.strided.scatter [tilespmem:s23], [sflag:$0x3], $0x1000, s17, s16, $0x38;
	[tilespmem:$0x1C700] =	vst v63  }
0x16c: {  	_ =	swait.ge [sflag:s21], $0x1000  }
0x16d: {  	[sflag:s21] =	ssyncset.done $0x0  }
0x16e: {  	[sflag:s21] =	ssyncadd.s32 $0xFFFFF000  }
0x16f: {  	_ =	swait.ge [sflag:s25], $0x1000  }
0x170: {  	[sflag:s25] =	ssyncset.done $0x0  }
0x171: {  	s30 =	simm.s32 $0x0;
	[sflag:s25] =	ssyncadd.s32 $0xFFFFF000  }
0x172: {  	v0 =	vld [tilespmem:s30+$0x19700];
	_ =	sdelay $0x5  }
0x173: {  	v1 =	vld [tilespmem:s30+$0x19710];
	_ =	sdelay $0x1  }
0x174: {  	v0 =	vld.idx.msk [tilespmem:v0+s5+$0x0], $0xffff;
	_ =	sdelay $0x4  }
0x175: {  	[tilespmem:s30+$0x1B700] =	vst v0;
	v0 =	vld [tilespmem:s30+$0x19720]  }
0x176: {  	v1 =	vld.idx.msk [tilespmem:v1+s5+$0x0], $0xffff;
	_ =	sdelay $0x4  }
0x177: {  	[tilespmem:s30+$0x1B710] =	vst v1;
	v1 =	vld [tilespmem:s30+$0x19730];
	_ =	sdelay $0x1  }
0x178: {  	v0 =	vld.idx.msk [tilespmem:v0+s5+$0x0], $0xffff;
	_ =	sdelay $0x4  }
0x179: {  	[tilespmem:s30+$0x1B720] =	vst v0;
	v0 =	vld [tilespmem:s30+$0x19740]  }
0x17a: {  	v1 =	vld.idx.msk [tilespmem:v1+s5+$0x0], $0xffff;
	_ =	sdelay $0x4  }
0x17b: {  	[tilespmem:s30+$0x1B730] =	vst v1;
	v1 =	vld [tilespmem:s30+$0x19750];
	_ =	sdelay $0x1  }
0x17c: {  	v0 =	vld.idx.msk [tilespmem:v0+s5+$0x0], $0xffff;
	_ =	sdelay $0x4  }
0x17d: {  	[tilespmem:s30+$0x1B740] =	vst v0;
	v0 =	vld [tilespmem:s30+$0x19760]  }
0x17e: {  	v1 =	vld.idx.msk [tilespmem:v1+s5+$0x0], $0xffff;
	_ =	sdelay $0x4  }
0x17f: {  	[tilespmem:s30+$0x1B750] =	vst v1;
	v1 =	vld [tilespmem:s30+$0x19770];
	_ =	sdelay $0x1  }
0x180: {  	v0 =	vld.idx.msk [tilespmem:v0+s5+$0x0], $0xffff;
	_ =	sdelay $0x4  }
0x181: {  	[tilespmem:s30+$0x1B760] =	vst v0;
	v0 =	vld [tilespmem:s30+$0x19780]  }
0x182: {  	v1 =	vld.idx.msk [tilespmem:v1+s5+$0x0], $0xffff;
	_ =	sdelay $0x4  }
0x183: {  	[tilespmem:s30+$0x1B770] =	vst v1;
	v1 =	vld [tilespmem:s30+$0x19790];
	_ =	sdelay $0x1  }
0x184: {  	v0 =	vld.idx.msk [tilespmem:v0+s5+$0x0], $0xffff;
	_ =	sdelay $0x4  }
0x185: {  	[tilespmem:s30+$0x1B780] =	vst v0;
	v0 =	vld [tilespmem:s30+$0x197A0]  }
0x186: {  	v1 =	vld.idx.msk [tilespmem:v1+s5+$0x0], $0xffff;
	_ =	sdelay $0x4  }
0x187: {  	[tilespmem:s30+$0x1B790] =	vst v1;
	v1 =	vld [tilespmem:s30+$0x197B0];
	_ =	sdelay $0x1  }
0x188: {  	v0 =	vld.idx.msk [tilespmem:v0+s5+$0x0], $0xffff;
	_ =	sdelay $0x4  }
0x189: {  	[tilespmem:s30+$0x1B7A0] =	vst v0;
	v0 =	vld [tilespmem:s30+$0x197C0]  }
0x18a: {  	v1 =	vld.idx.msk [tilespmem:v1+s5+$0x0], $0xffff;
	_ =	sdelay $0x4  }
0x18b: {  	[tilespmem:s30+$0x1B7B0] =	vst v1;
	v1 =	vld [tilespmem:s30+$0x197D0];
	_ =	sdelay $0x1  }
0x18c: {  	v0 =	vld.idx.msk [tilespmem:v0+s5+$0x0], $0xffff;
	_ =	sdelay $0x4  }
0x18d: {  	v2 =	vld [tilespmem:s30+$0x197E0];
	[tilespmem:s30+$0x1B7C0] =	vst v0  }
0x18e: {  	v0 =	vld.idx.msk [tilespmem:v1+s5+$0x0], $0xffff;
	_ =	sdelay $0x4  }
0x18f: {  	[tilespmem:s30+$0x1B7D0] =	vst v0;
	v0 =	vld [tilespmem:s30+$0x197F0];
	_ =	sdelay $0x1  }
0x190: {  	v1 =	vld.idx.msk [tilespmem:v2+s5+$0x0], $0xffff;
	_ =	sdelay $0x3  }
0x191: {  	s31 =	simm.s32 $0x100;
	s0 =	simm.s32 $0x800  }
.LBB2_9:
0x192: {  	p0 =	sne.s32 s0, $0x3C00;
	v2 =	vld [tilespmem:s31+$0x19700];
	[tilespmem:s30+$0x1B7E0] =	vst v1  }
0x193: {  	v0 =	vld.idx.msk [tilespmem:v0+s5+$0x0], $0xffff;
	_ =	sdelay $0x5  }
0x194: {  	v1 =	vld [tilespmem:s31+$0x19710];
	[tilespmem:s30+$0x1B7F0] =	vst v0;
	s30 =	smov.u32 s31  }
0x195: {  	v0 =	vld.idx.msk [tilespmem:v2+s5+$0x0], $0xffff;
	_ =	sdelay $0x5  }
0x196: {  	[tilespmem:s30+$0x1B700] =	vst v0;
	v0 =	vld [tilespmem:s30+$0x19720]  }
0x197: {  	v1 =	vld.idx.msk [tilespmem:v1+s5+$0x0], $0xffff;
	_ =	sdelay $0x5  }
0x198: {  	[tilespmem:s30+$0x1B710] =	vst v1;
	v1 =	vld [tilespmem:s30+$0x19730]  }
0x199: {  	v0 =	vld.idx.msk [tilespmem:v0+s5+$0x0], $0xffff;
	_ =	sdelay $0x5  }
0x19a: {  	[tilespmem:s30+$0x1B720] =	vst v0;
	v0 =	vld [tilespmem:s30+$0x19740]  }
0x19b: {  	v1 =	vld.idx.msk [tilespmem:v1+s5+$0x0], $0xffff;
	_ =	sdelay $0x5  }
0x19c: {  	[tilespmem:s30+$0x1B730] =	vst v1;
	v1 =	vld [tilespmem:s30+$0x19750]  }
0x19d: {  	v0 =	vld.idx.msk [tilespmem:v0+s5+$0x0], $0xffff;
	_ =	sdelay $0x5  }
0x19e: {  	[tilespmem:s30+$0x1B740] =	vst v0;
	v0 =	vld [tilespmem:s30+$0x19760]  }
0x19f: {  	v1 =	vld.idx.msk [tilespmem:v1+s5+$0x0], $0xffff;
	_ =	sdelay $0x5  }
0x1a0: {  	[tilespmem:s30+$0x1B750] =	vst v1;
	v1 =	vld [tilespmem:s30+$0x19770]  }
0x1a1: {  	v0 =	vld.idx.msk [tilespmem:v0+s5+$0x0], $0xffff;
	_ =	sdelay $0x5  }
0x1a2: {  	[tilespmem:s30+$0x1B760] =	vst v0;
	v0 =	vld [tilespmem:s30+$0x19780]  }
0x1a3: {  	v1 =	vld.idx.msk [tilespmem:v1+s5+$0x0], $0xffff;
	_ =	sdelay $0x5  }
0x1a4: {  	[tilespmem:s30+$0x1B770] =	vst v1;
	v1 =	vld [tilespmem:s30+$0x19790]  }
0x1a5: {  	v0 =	vld.idx.msk [tilespmem:v0+s5+$0x0], $0xffff;
	_ =	sdelay $0x5  }
0x1a6: {  	[tilespmem:s30+$0x1B780] =	vst v0;
	v0 =	vld [tilespmem:s30+$0x197A0]  }
0x1a7: {  	v1 =	vld.idx.msk [tilespmem:v1+s5+$0x0], $0xffff;
	_ =	sdelay $0x5  }
0x1a8: {  	[tilespmem:s30+$0x1B790] =	vst v1;
	v1 =	vld [tilespmem:s30+$0x197B0]  }
0x1a9: {  	v0 =	vld.idx.msk [tilespmem:v0+s5+$0x0], $0xffff;
	_ =	sdelay $0x5  }
0x1aa: {  	[tilespmem:s30+$0x1B7A0] =	vst v0;
	v0 =	vld [tilespmem:s30+$0x197C0]  }
0x1ab: {  	v1 =	vld.idx.msk [tilespmem:v1+s5+$0x0], $0xffff;
	_ =	sdelay $0x5  }
0x1ac: {  	[tilespmem:s30+$0x1B7B0] =	vst v1;
	v1 =	vld [tilespmem:s30+$0x197D0]  }
0x1ad: {  	v0 =	vld.idx.msk [tilespmem:v0+s5+$0x0], $0xffff;
	_ =	sdelay $0x5  }
0x1ae: {  	[tilespmem:s30+$0x1B7C0] =	vst v0;
	v2 =	vld [tilespmem:s30+$0x197E0]  }
0x1af: {  	v0 =	vld.idx.msk [tilespmem:v1+s5+$0x0], $0xffff;
	_ =	sdelay $0x5  }
0x1b0: {  	[tilespmem:s30+$0x1B7D0] =	vst v0;
	v0 =	vld [tilespmem:s30+$0x197F0]  }
0x1b1: {  	v1 =	vld.idx.msk [tilespmem:v2+s5+$0x0], $0xffff  }
.Ltmp3:
0x1b2: {  	(pc) =	sbr.rel @p0 .LBB2_9-.Ltmp3, $2  }
0x1b3: {  	_ =	sdelay $0x2  }
0x1b4: {  	s31 =	sshra.s32 s0, $0x2;
	s0 =	sadd.s32 $0x400, s0  }
0x1b5: {  	_ =	sdelay $0x1  }
0x1b6: {  	v2 =	vld [tilespmem:s31+$0x19700]  }
0x1b7: {  	[tilespmem:s30+$0x1B7E0] =	vst v1  }
0x1b8: {  	v0 =	vld.idx.msk [tilespmem:v0+s5+$0x0], $0xffff;
	_ =	sdelay $0x3  }
0x1b9: {  	v1 =	vld [tilespmem:s31+$0x19710]  }
0x1ba: {  	[tilespmem:s30+$0x1B7F0] =	vst v0  }
0x1bb: {  	v0 =	vld.idx.msk [tilespmem:v2+s5+$0x0], $0xffff;
	_ =	sdelay $0x3  }
0x1bc: {  	v50 =	vld [tilespmem:s31+$0x19720]  }
0x1bd: {  	[tilespmem:s31+$0x1B700] =	vst v0  }
0x1be: {  	v1 =	vld.idx.msk [tilespmem:v1+s5+$0x0], $0xffff;
	_ =	sdelay $0x3  }
0x1bf: {  	v51 =	vld [tilespmem:s31+$0x19730]  }
0x1c0: {  	[tilespmem:s31+$0x1B710] =	vst v1  }
0x1c1: {  	v0 =	vld.idx.msk [tilespmem:v50+s5+$0x0], $0xffff;
	_ =	sdelay $0x3  }
0x1c2: {  	v52 =	vld [tilespmem:s31+$0x19740]  }
0x1c3: {  	[tilespmem:s31+$0x1B720] =	vst v0  }
0x1c4: {  	v1 =	vld.idx.msk [tilespmem:v51+s5+$0x0], $0xffff;
	_ =	sdelay $0x3  }
0x1c5: {  	v53 =	vld [tilespmem:s31+$0x19750]  }
0x1c6: {  	[tilespmem:s31+$0x1B730] =	vst v1  }
0x1c7: {  	v0 =	vld.idx.msk [tilespmem:v52+s5+$0x0], $0xffff;
	_ =	sdelay $0x3  }
0x1c8: {  	v54 =	vld [tilespmem:s31+$0x19760]  }
0x1c9: {  	[tilespmem:s31+$0x1B740] =	vst v0  }
0x1ca: {  	v1 =	vld.idx.msk [tilespmem:v53+s5+$0x0], $0xffff;
	_ =	sdelay $0x3  }
0x1cb: {  	v55 =	vld [tilespmem:s31+$0x19770]  }
0x1cc: {  	[tilespmem:s31+$0x1B750] =	vst v1  }
0x1cd: {  	v0 =	vld.idx.msk [tilespmem:v54+s5+$0x0], $0xffff;
	_ =	sdelay $0x3  }
0x1ce: {  	v56 =	vld [tilespmem:s31+$0x19780]  }
0x1cf: {  	[tilespmem:s31+$0x1B760] =	vst v0  }
0x1d0: {  	v1 =	vld.idx.msk [tilespmem:v55+s5+$0x0], $0xffff;
	_ =	sdelay $0x3  }
0x1d1: {  	v57 =	vld [tilespmem:s31+$0x19790]  }
0x1d2: {  	[tilespmem:s31+$0x1B770] =	vst v1  }
0x1d3: {  	v0 =	vld.idx.msk [tilespmem:v56+s5+$0x0], $0xffff;
	_ =	sdelay $0x3  }
0x1d4: {  	v58 =	vld [tilespmem:s31+$0x197A0]  }
0x1d5: {  	[tilespmem:s31+$0x1B780] =	vst v0  }
0x1d6: {  	v1 =	vld.idx.msk [tilespmem:v57+s5+$0x0], $0xffff;
	_ =	sdelay $0x3  }
0x1d7: {  	v59 =	vld [tilespmem:s31+$0x197B0]  }
0x1d8: {  	[tilespmem:s31+$0x1B790] =	vst v1  }
0x1d9: {  	v0 =	vld.idx.msk [tilespmem:v58+s5+$0x0], $0xffff;
	_ =	sdelay $0x3  }
0x1da: {  	v60 =	vld [tilespmem:s31+$0x197C0]  }
0x1db: {  	[tilespmem:s31+$0x1B7A0] =	vst v0  }
0x1dc: {  	v1 =	vld.idx.msk [tilespmem:v59+s5+$0x0], $0xffff;
	_ =	sdelay $0x3  }
0x1dd: {  	v61 =	vld [tilespmem:s31+$0x197D0]  }
0x1de: {  	[tilespmem:s31+$0x1B7B0] =	vst v1  }
0x1df: {  	v0 =	vld.idx.msk [tilespmem:v60+s5+$0x0], $0xffff;
	_ =	sdelay $0x3  }
0x1e0: {  	v62 =	vld [tilespmem:s31+$0x197E0]  }
0x1e1: {  	[tilespmem:s31+$0x1B7C0] =	vst v0  }
0x1e2: {  	v1 =	vld.idx.msk [tilespmem:v61+s5+$0x0], $0xffff;
	_ =	sdelay $0x3  }
0x1e3: {  	v63 =	vld [tilespmem:s31+$0x197F0]  }
0x1e4: {  	[tilespmem:s31+$0x1B7D0] =	vst v1  }
0x1e5: {  	v0 =	vld.idx.msk [tilespmem:v62+s5+$0x0], $0xffff;
	_ =	sdelay $0x4  }
0x1e6: {  	[tilespmem:s31+$0x1B7E0] =	vst v0  }
0x1e7: {  	v0 =	vld.idx.msk [tilespmem:v63+s5+$0x0], $0xffff;
	_ =	sdelay $0x2  }
0x1e8: {  	s0 =	sadd.s32 s14, s29  }
0x1e9: {  	s3 =	sadd.s32 $0x1, s28;
	p0 =	seq.s32 s28, $0x19;
	s0 =	sshrl.u32 s0, $0x3  }
0x1ea: {  	s28 =	smul.u32 @!p0 $0x30E000, s3;
	s0 =	sadd.s32 s4, s0;
	[tilespmem:s31+$0x1B7F0] =	vst v0  }
0x1eb: {  	[hbm4b:s0+s16] =	stream.strided.scatter [tilespmem:s24], [sflag:$0x3], $0x1000, s17, s16, $0x38;
	[tilespmem:$0x1C700] =	vst v63  }
0x1ec: {  	s0 =	sadd.s32 @!p0 s6, s28  }
0x1ed: {  	s29 =	simm.s32 @!p0 $0x400;
	s0 =	sshrl.u32 @!p0 s0, $0x3  }
0x1ee: {  	s30 =	simm.s32 @!p0 $0x0;
	s28 =	simm.s32 @!p0 $0x80;
	s0 =	sadd.s32 @!p0 s2, s0  }
0x1ef: {  	[tilespmem:s30], [sflag:$0x1] =	stream.strided.gather @!p0 [hbm4b:s0+s28], $0x18700, s29, s28, $0x38;
	[tilespmem:$0x1C700] =	vst v63  }
0x1f0: {  	p0 =	sne.s32 s3, $0x1A;
	_ =	swait.ge [sflag:s25], $0x1000  }
.Ltmp4:
0x1f1: {  	[sflag:s25] =	ssyncset.done $0x0;
	(pc) =	sbr.rel @p0 .LBB2_2-.Ltmp4, $4  }
0x1f2: {  	[sflag:s25] =	ssyncadd.s32 $0xFFFFF000  }
0x1f3: {  	_ =	swait.ge [sflag:s25], $0x1000  }
0x1f4: {  	[sflag:s25] =	ssyncset.done $0x0  }
0x1f5: {  	s28 =	smov.u32 s3;
	[sflag:s25] =	ssyncadd.s32 $0xFFFFF000  }
0x1f6: {  	s26 =	sadd.s32 $0x1, s26  }
0x1f7: {  	p0 =	sne.s32 s26, s15  }
.Ltmp5:
0x1f8: {  	_ = 	snop;
	(pc) =	sbr.rel @p0 .LBB2_1-.Ltmp5, $1  }
0x1f9: {  	_ =	sdelay $0x3  }
0x1fa: {  	_ =	sfence.sel $0x180000  }
0x1fb: {  	[bflag:$0x0] =	sbarrier.arrive $0xFFFF  }
0x1fc: {  	_ =	strace $0x90000047  }
0x1fd: {  	s0 =	stileid.u32;
	[bflag:$0x2] =	sbarrier.arrive $0xFFFF  }
0x1fe: {  	p0 =	sne.s32 s0, $0x0;
	s0 =	rddreg [dreg:$0x3]  }
0x1ff: {  	s0 =	sadd.s32 @!p0 $0x100000, s0  }
0x200: {  	[sflag:s0] =	ssyncadd.tile.s32 @!p0 $0x1;
	_ =	shalt  }
.Lfunc_end2:
_tile_overlayer_lowered:
.L_overlay_start_2:
0x201: {  	(tag) =	ssettag $0x2  }
0x202: {  	s0 =	rddreg [dreg:$0x0];
	s2 =	stileid.u32  }
0x203: {  	s1 =	rddreg [dreg:$0x1];
	p0 =	sne.s32 s2, $0x0  }
0x204: {  	s3 =	rddreg [dreg:$0x2];
	[bflag:$0x3] =	sbarrier.arrive $0xFFFF;
	s2 =	simm.s32 @!p0 $0x1C04  }
0x205: {  	[timem:s3], [sflag:s2] =	dma.local @!p0 [hbm:s0], s1  }
0x206: {  	s0 =	simm.s32 @!p0 $0x4  }
0x207: {  	_ =	swait.ge @!p0 [sflag:s0], s1  }
0x208: {  	s1 =	ssub.s32 @!p0 $0x0, s1;
	[sflag:s0] =	ssyncset.done @!p0 $0x0  }
0x209: {  	[sflag:s0] =	ssyncadd.s32 @!p0 s1  }
0x20a: {  	[bflag:$0x3] =	sbarrier.arrive $0xFFFF  }
0x20b: {  	_ =	shalt  }

</sc_bundles>
